<compile_context>
chip_gen: v7x
topology: tpu7x:2x2x1
jax: 0.10.2.dev20260603
libtpu: 0.0.44.dev20260713+nightly
codegen_flags: <defaults>
</compile_context>

<pallas_src>
import jax
import jax.numpy as jnp
from jax import lax
from jax.experimental import pallas as pl
from jax.experimental.pallas import tpu as pltpu
from jax.experimental.pallas import tpu_sc as plsc

_D = 32
_B = 16384
_H = 50
_NC = 2
_NS = 16
_NW = _NC * _NS
_R = _B // _NW
_G = 32
_NG = _R // _G
_GH = _G * _H

_CHUNKS = [(c * 128, min(128, _GH - c * 128)) for c in range((_GH + 127) // 128)]


def _sc_body(idx_hbm, table_hbm, out_hbm, idxv, bufv, outv, isem, gsem, osem):
    wid = lax.axis_index("s") * _NC + lax.axis_index("c")

    def idx_copy(g, slot):
        return pltpu.make_async_copy(
            idx_hbm.at[pl.ds((wid * _R + g * _G) * _H, _GH)],
            idxv.at[pl.ds(slot * _GH, _GH)], isem)

    def gather_copy(c, slot):
        off, ln = _CHUNKS[c]
        return pltpu.make_async_copy(
            table_hbm.at[idxv.at[pl.ds(slot * _GH + off, ln)]],
            bufv.at[pl.ds(slot * _GH + off, ln)], gsem)

    def out_copy(g):
        return pltpu.make_async_copy(
            outv, out_hbm.at[pl.ds(wid * _R + g * _G, _G)], osem)

    idx_copy(0, 0).start()
    idx_copy(0, 0).wait()
    for c in range(len(_CHUNKS)):
        gather_copy(c, 0).start()
    idx_copy(1, 1).start()

    def group_body(g, carry):
        p = lax.rem(g, 2)
        pn = lax.rem(g + 1, 2)

        for c in range(len(_CHUNKS)):
            gather_copy(c, p).wait()

        @pl.when(g + 1 < _NG)
        def _():
            idx_copy(g + 1, pn).wait()
            for c in range(len(_CHUNKS)):
                gather_copy(c, pn).start()

        @pl.when(g + 2 < _NG)
        def _():
            idx_copy(g + 2, p).start()

        @pl.when(g > 0)
        def _():
            out_copy(g - 1).wait()

        base = p * _GH

        def acc_body(i, c2):
            r = base + i * _H
            lo = [bufv[r + k, 0:16] for k in range(4)]
            hi = [bufv[r + k, 16:32] for k in range(4)]
            for j in range(4, _H):
                k = j % 4
                lo[k] = lo[k] + bufv[r + j, 0:16]
                hi[k] = hi[k] + bufv[r + j, 16:32]
            outv[i, 0:16] = (lo[0] + lo[1]) + (lo[2] + lo[3])
            outv[i, 16:32] = (hi[0] + hi[1]) + (hi[2] + hi[3])
            return c2

        lax.fori_loop(0, _G, acc_body, 0)
        out_copy(g).start()
        return carry

    lax.fori_loop(0, _NG, group_body, 0)
    out_copy(_NG - 1).wait()


@jax.jit
def kernel(indices, table):
    f = pl.kernel(
        _sc_body,
        out_type=jax.ShapeDtypeStruct((_B, _D), jnp.float32),
        mesh=plsc.VectorSubcoreMesh(core_axis_name="c", subcore_axis_name="s"),
        scratch_types=[
            pltpu.VMEM((2 * _GH,), jnp.int32),
            pltpu.VMEM((2 * _GH, _D), jnp.float32),
            pltpu.VMEM((_G, _D), jnp.float32),
            pltpu.SemaphoreType.DMA,
            pltpu.SemaphoreType.DMA,
            pltpu.SemaphoreType.DMA,
        ],
        compiler_params=pltpu.CompilerParams(use_tc_tiling_on_sc=False),
    )
    return f(indices.reshape(_B * _H), table)

# --- scband reference (transcript-rebuilt; emitter-appended) ---
"""Pipeline reference for scband-encoder-3384434229910 (READ-ONLY COPY).

The authoritative reference and input builder live on the scoring server;
editing this copy changes nothing except your own understanding.
"""

import jax, jax.numpy as jnp
import numpy as np

VOCAB = 1000000
EMBED_DIM = 32
BATCH = 16384
HIST_LEN = 50


def setup_inputs(seed: int = 0) -> dict:
    key = jax.random.key(seed)
    k_idx, k_tab = jax.random.split(key)
    # forward arg per input_specs: indices int32[BATCH, HIST_LEN], values in [0, VOCAB)
    indices = jax.random.randint(k_idx, (BATCH, HIST_LEN), 0, VOCAB, dtype=jnp.int32)
    # learned parameter: embedding table (nn.Embed analogue, truncated-normal init stddev 0.02)
    table = jax.random.truncated_normal(k_tab, -2.0, 2.0, (VOCAB, EMBED_DIM), dtype=jnp.float32) * 0.02
    return {"indices": indices, "table": table}


def reference(indices, table):
    # nn.Embed lookup: gather rows of the table for every (batch, history) token
    emb = jnp.take(table, indices, axis=0)  # [BATCH, HIST_LEN, EMBED_DIM]
    # SumEmbeddings-style pooling over the history/entity axis, as in the Encoder's
    # private_entity_sum / public_entity_sum modules
    pooled = jnp.sum(emb, axis=1)  # [BATCH, EMBED_DIM]
    return pooled

if __name__ == "__main__":
    import jax
    _d = setup_inputs()
    print(jax.jit(kernel)(*tuple(_d.values())))

</pallas_src>

<mosaic_0001>
#map = affine_map<(d0, d1) -> (0)>
#map1 = affine_map<(d0, d1) -> (0, 0)>
module attributes {stable_mosaic.version = 14 : i64} {
  func.func @_sc_body(%arg0: i32, %arg1: i32, %arg2: memref<819200xi32, #tpu.memory_space<hbm>>, %arg3: memref<1000000x32xf32, #tpu.memory_space<hbm>>, %arg4: memref<16384x32xf32, #tpu.memory_space<hbm>>, %arg5: memref<3200xi32, #tpu.memory_space<vmem>>, %arg6: memref<3200x32xf32, #tpu.memory_space<vmem>>, %arg7: memref<32x32xf32, #tpu.memory_space<vmem>>, %arg8: memref<!tpu.dma_semaphore, #tpu.memory_space<semaphore_mem>>, %arg9: memref<!tpu.dma_semaphore, #tpu.memory_space<semaphore_mem>>, %arg10: memref<!tpu.dma_semaphore, #tpu.memory_space<semaphore_mem>>) attributes {dimension_semantics = [#tpu.dimension_semantics<core_parallel>, #tpu.dimension_semantics<subcore_parallel>], iteration_bounds = array<i64: 2, 16>, scalar_prefetch = 0 : i64, scratch_operands = 6 : i64, tpu.core_type = #tpu.core_type<sc_vector_subcore>, window_params = [{transform_indices = #map}, {transform_indices = #map1}, {transform_indices = #map1}]} {
    %mul3A = arith.constant 2 : i32
    %mul3A_0 = arith.muli %arg1, %mul3A : i32
    %add3A = arith.addi %mul3A_0, %arg0 : i32
    %mul3A_1 = arith.constant 512 : i32
    %mul3A_2 = arith.muli %add3A, %mul3A_1 : i32
    %add3A_3 = arith.constant 0 : i32
    %add3A_4 = arith.addi %mul3A_2, %add3A_3 : i32
    %mul3A_5 = arith.constant 50 : i32
    %mul3A_6 = arith.muli %add3A_4, %mul3A_5 : i32
    %dma_start3A = arith.constant 0 : i32
    %dma_start3A_7 = tpu.memref_slice %arg5[%dma_start3A] : memref<3200xi32, #tpu.memory_space<vmem>> -> memref<1600xi32, #tpu.memory_space<vmem>>
    %dma_start3A_8 = tpu.memref_slice %arg2[%mul3A_6] : memref<819200xi32, #tpu.memory_space<hbm>> -> memref<1600xi32, #tpu.memory_space<hbm>>
    %dma_start3A_9 = arith.constant 0 : i32
    %dma_start3A_10 = tpu.memref_slice %arg5[%dma_start3A_9] : memref<3200xi32, #tpu.memory_space<vmem>> -> memref<1600xi32, #tpu.memory_space<vmem>>
    %dma_start3A_11 = tpu.memref_slice %arg2[%mul3A_6] : memref<819200xi32, #tpu.memory_space<hbm>> -> memref<1600xi32, #tpu.memory_space<hbm>>
    tpu.enqueue_dma source(%dma_start3A_11 : memref<1600xi32, #tpu.memory_space<hbm>>) target(%dma_start3A_10 : memref<1600xi32, #tpu.memory_space<vmem>>) target_semaphore(%arg8 : memref<!tpu.dma_semaphore, #tpu.memory_space<semaphore_mem>>)
    %mul3A_12 = arith.constant 512 : i32
    %mul3A_13 = arith.muli %add3A, %mul3A_12 : i32
    %add3A_14 = arith.constant 0 : i32
    %add3A_15 = arith.addi %mul3A_13, %add3A_14 : i32
    %mul3A_16 = arith.constant 50 : i32
    %mul3A_17 = arith.muli %add3A_15, %mul3A_16 : i32
    %dma_wait3A = arith.constant 0 : i32
    %dma_wait3A_18 = tpu.memref_slice %arg5[%dma_wait3A] : memref<3200xi32, #tpu.memory_space<vmem>> -> memref<1600xi32, #tpu.memory_space<vmem>>
    %dma_wait3A_19 = tpu.memref_slice %arg2[%mul3A_17] : memref<819200xi32, #tpu.memory_space<hbm>> -> memref<1600xi32, #tpu.memory_space<hbm>>
    %dma_wait3A_20 = arith.constant 0 : i32
    %dma_wait3A_21 = tpu.memref_slice %arg5[%dma_wait3A_20] : memref<3200xi32, #tpu.memory_space<vmem>> -> memref<1600xi32, #tpu.memory_space<vmem>>
    %dma_wait3A_22 = tpu.memref_slice %arg2[%mul3A_17] : memref<819200xi32, #tpu.memory_space<hbm>> -> memref<1600xi32, #tpu.memory_space<hbm>>
    tpu.wait_dma2 semaphore(%arg8 : memref<!tpu.dma_semaphore, #tpu.memory_space<semaphore_mem>>) src(%dma_wait3A_22 : memref<1600xi32, #tpu.memory_space<hbm>>) dst(%dma_wait3A_21 : memref<1600xi32, #tpu.memory_space<vmem>>)
    %dma_start3A_23 = arith.constant 0 : i32
    %dma_start3A_24 = arith.constant 0 : i32
    %dma_start3A_25 = tpu.memref_slice %arg6[%dma_start3A_23, %dma_start3A_24] : memref<3200x32xf32, #tpu.memory_space<vmem>> -> memref<128x32xf32, #tpu.memory_space<vmem>>
    %dma_start3A_26 = arith.constant 0 : i32
    %dma_start3A_27 = tpu.memref_slice %arg5[%dma_start3A_26] : memref<3200xi32, #tpu.memory_space<vmem>> -> memref<128xi32, #tpu.memory_space<vmem>>
    %dma_start3A_28 = arith.constant 0 : i32
    %dma_start3A_29 = arith.constant 0 : i32
    %dma_start3A_30 = tpu.memref_slice %arg3[%dma_start3A_28, %dma_start3A_29] : memref<1000000x32xf32, #tpu.memory_space<hbm>> -> memref<1000000x32xf32, #tpu.memory_space<hbm>>
    tpu.enqueue_indirect_dma source(%dma_start3A_30 : memref<1000000x32xf32, #tpu.memory_space<hbm>>) target(%dma_start3A_25 : memref<128x32xf32, #tpu.memory_space<vmem>>) offsets(%dma_start3A_27 : memref<128xi32, #tpu.memory_space<vmem>>) semaphore(%arg9 : memref<!tpu.dma_semaphore, #tpu.memory_space<semaphore_mem>>)
    %dma_start3A_31 = arith.constant 128 : i32
    %dma_start3A_32 = arith.constant 0 : i32
    %dma_start3A_33 = tpu.memref_slice %arg6[%dma_start3A_31, %dma_start3A_32] : memref<3200x32xf32, #tpu.memory_space<vmem>> -> memref<128x32xf32, #tpu.memory_space<vmem>>
    %dma_start3A_34 = arith.constant 128 : i32
    %dma_start3A_35 = tpu.memref_slice %arg5[%dma_start3A_34] : memref<3200xi32, #tpu.memory_space<vmem>> -> memref<128xi32, #tpu.memory_space<vmem>>
    %dma_start3A_36 = arith.constant 0 : i32
    %dma_start3A_37 = arith.constant 0 : i32
    %dma_start3A_38 = tpu.memref_slice %arg3[%dma_start3A_36, %dma_start3A_37] : memref<1000000x32xf32, #tpu.memory_space<hbm>> -> memref<1000000x32xf32, #tpu.memory_space<hbm>>
    tpu.enqueue_indirect_dma source(%dma_start3A_38 : memref<1000000x32xf32, #tpu.memory_space<hbm>>) target(%dma_start3A_33 : memref<128x32xf32, #tpu.memory_space<vmem>>) offsets(%dma_start3A_35 : memref<128xi32, #tpu.memory_space<vmem>>) semaphore(%arg9 : memref<!tpu.dma_semaphore, #tpu.memory_space<semaphore_mem>>)
    %dma_start3A_39 = arith.constant 256 : i32
    %dma_start3A_40 = arith.constant 0 : i32
    %dma_start3A_41 = tpu.memref_slice %arg6[%dma_start3A_39, %dma_start3A_40] : memref<3200x32xf32, #tpu.memory_space<vmem>> -> memref<128x32xf32, #tpu.memory_space<vmem>>
    %dma_start3A_42 = arith.constant 256 : i32
    %dma_start3A_43 = tpu.memref_slice %arg5[%dma_start3A_42] : memref<3200xi32, #tpu.memory_space<vmem>> -> memref<128xi32, #tpu.memory_space<vmem>>
    %dma_start3A_44 = arith.constant 0 : i32
    %dma_start3A_45 = arith.constant 0 : i32
    %dma_start3A_46 = tpu.memref_slice %arg3[%dma_start3A_44, %dma_start3A_45] : memref<1000000x32xf32, #tpu.memory_space<hbm>> -> memref<1000000x32xf32, #tpu.memory_space<hbm>>
    tpu.enqueue_indirect_dma source(%dma_start3A_46 : memref<1000000x32xf32, #tpu.memory_space<hbm>>) target(%dma_start3A_41 : memref<128x32xf32, #tpu.memory_space<vmem>>) offsets(%dma_start3A_43 : memref<128xi32, #tpu.memory_space<vmem>>) semaphore(%arg9 : memref<!tpu.dma_semaphore, #tpu.memory_space<semaphore_mem>>)
    %dma_start3A_47 = arith.constant 384 : i32
    %dma_start3A_48 = arith.constant 0 : i32
    %dma_start3A_49 = tpu.memref_slice %arg6[%dma_start3A_47, %dma_start3A_48] : memref<3200x32xf32, #tpu.memory_space<vmem>> -> memref<128x32xf32, #tpu.memory_space<vmem>>
    %dma_start3A_50 = arith.constant 384 : i32
    %dma_start3A_51 = tpu.memref_slice %arg5[%dma_start3A_50] : memref<3200xi32, #tpu.memory_space<vmem>> -> memref<128xi32, #tpu.memory_space<vmem>>
    %dma_start3A_52 = arith.constant 0 : i32
    %dma_start3A_53 = arith.constant 0 : i32
    %dma_start3A_54 = tpu.memref_slice %arg3[%dma_start3A_52, %dma_start3A_53] : memref<1000000x32xf32, #tpu.memory_space<hbm>> -> memref<1000000x32xf32, #tpu.memory_space<hbm>>
    tpu.enqueue_indirect_dma source(%dma_start3A_54 : memref<1000000x32xf32, #tpu.memory_space<hbm>>) target(%dma_start3A_49 : memref<128x32xf32, #tpu.memory_space<vmem>>) offsets(%dma_start3A_51 : memref<128xi32, #tpu.memory_space<vmem>>) semaphore(%arg9 : memref<!tpu.dma_semaphore, #tpu.memory_space<semaphore_mem>>)
    %dma_start3A_55 = arith.constant 512 : i32
    %dma_start3A_56 = arith.constant 0 : i32
    %dma_start3A_57 = tpu.memref_slice %arg6[%dma_start3A_55, %dma_start3A_56] : memref<3200x32xf32, #tpu.memory_space<vmem>> -> memref<128x32xf32, #tpu.memory_space<vmem>>
    %dma_start3A_58 = arith.constant 512 : i32
    %dma_start3A_59 = tpu.memref_slice %arg5[%dma_start3A_58] : memref<3200xi32, #tpu.memory_space<vmem>> -> memref<128xi32, #tpu.memory_space<vmem>>
    %dma_start3A_60 = arith.constant 0 : i32
    %dma_start3A_61 = arith.constant 0 : i32
    %dma_start3A_62 = tpu.memref_slice %arg3[%dma_start3A_60, %dma_start3A_61] : memref<1000000x32xf32, #tpu.memory_space<hbm>> -> memref<1000000x32xf32, #tpu.memory_space<hbm>>
    tpu.enqueue_indirect_dma source(%dma_start3A_62 : memref<1000000x32xf32, #tpu.memory_space<hbm>>) target(%dma_start3A_57 : memref<128x32xf32, #tpu.memory_space<vmem>>) offsets(%dma_start3A_59 : memref<128xi32, #tpu.memory_space<vmem>>) semaphore(%arg9 : memref<!tpu.dma_semaphore, #tpu.memory_space<semaphore_mem>>)
    %dma_start3A_63 = arith.constant 640 : i32
    %dma_start3A_64 = arith.constant 0 : i32
    %dma_start3A_65 = tpu.memref_slice %arg6[%dma_start3A_63, %dma_start3A_64] : memref<3200x32xf32, #tpu.memory_space<vmem>> -> memref<128x32xf32, #tpu.memory_space<vmem>>
    %dma_start3A_66 = arith.constant 640 : i32
    %dma_start3A_67 = tpu.memref_slice %arg5[%dma_start3A_66] : memref<3200xi32, #tpu.memory_space<vmem>> -> memref<128xi32, #tpu.memory_space<vmem>>
    %dma_start3A_68 = arith.constant 0 : i32
    %dma_start3A_69 = arith.constant 0 : i32
    %dma_start3A_70 = tpu.memref_slice %arg3[%dma_start3A_68, %dma_start3A_69] : memref<1000000x32xf32, #tpu.memory_space<hbm>> -> memref<1000000x32xf32, #tpu.memory_space<hbm>>
    tpu.enqueue_indirect_dma source(%dma_start3A_70 : memref<1000000x32xf32, #tpu.memory_space<hbm>>) target(%dma_start3A_65 : memref<128x32xf32, #tpu.memory_space<vmem>>) offsets(%dma_start3A_67 : memref<128xi32, #tpu.memory_space<vmem>>) semaphore(%arg9 : memref<!tpu.dma_semaphore, #tpu.memory_space<semaphore_mem>>)
    %dma_start3A_71 = arith.constant 768 : i32
    %dma_start3A_72 = arith.constant 0 : i32
    %dma_start3A_73 = tpu.memref_slice %arg6[%dma_start3A_71, %dma_start3A_72] : memref<3200x32xf32, #tpu.memory_space<vmem>> -> memref<128x32xf32, #tpu.memory_space<vmem>>
    %dma_start3A_74 = arith.constant 768 : i32
    %dma_start3A_75 = tpu.memref_slice %arg5[%dma_start3A_74] : memref<3200xi32, #tpu.memory_space<vmem>> -> memref<128xi32, #tpu.memory_space<vmem>>
    %dma_start3A_76 = arith.constant 0 : i32
    %dma_start3A_77 = arith.constant 0 : i32
    %dma_start3A_78 = tpu.memref_slice %arg3[%dma_start3A_76, %dma_start3A_77] : memref<1000000x32xf32, #tpu.memory_space<hbm>> -> memref<1000000x32xf32, #tpu.memory_space<hbm>>
    tpu.enqueue_indirect_dma source(%dma_start3A_78 : memref<1000000x32xf32, #tpu.memory_space<hbm>>) target(%dma_start3A_73 : memref<128x32xf32, #tpu.memory_space<vmem>>) offsets(%dma_start3A_75 : memref<128xi32, #tpu.memory_space<vmem>>) semaphore(%arg9 : memref<!tpu.dma_semaphore, #tpu.memory_space<semaphore_mem>>)
    %dma_start3A_79 = arith.constant 896 : i32
    %dma_start3A_80 = arith.constant 0 : i32
    %dma_start3A_81 = tpu.memref_slice %arg6[%dma_start3A_79, %dma_start3A_80] : memref<3200x32xf32, #tpu.memory_space<vmem>> -> memref<128x32xf32, #tpu.memory_space<vmem>>
    %dma_start3A_82 = arith.constant 896 : i32
    %dma_start3A_83 = tpu.memref_slice %arg5[%dma_start3A_82] : memref<3200xi32, #tpu.memory_space<vmem>> -> memref<128xi32, #tpu.memory_space<vmem>>
    %dma_start3A_84 = arith.constant 0 : i32
    %dma_start3A_85 = arith.constant 0 : i32
    %dma_start3A_86 = tpu.memref_slice %arg3[%dma_start3A_84, %dma_start3A_85] : memref<1000000x32xf32, #tpu.memory_space<hbm>> -> memref<1000000x32xf32, #tpu.memory_space<hbm>>
    tpu.enqueue_indirect_dma source(%dma_start3A_86 : memref<1000000x32xf32, #tpu.memory_space<hbm>>) target(%dma_start3A_81 : memref<128x32xf32, #tpu.memory_space<vmem>>) offsets(%dma_start3A_83 : memref<128xi32, #tpu.memory_space<vmem>>) semaphore(%arg9 : memref<!tpu.dma_semaphore, #tpu.memory_space<semaphore_mem>>)
    %dma_start3A_87 = arith.constant 1024 : i32
    %dma_start3A_88 = arith.constant 0 : i32
    %dma_start3A_89 = tpu.memref_slice %arg6[%dma_start3A_87, %dma_start3A_88] : memref<3200x32xf32, #tpu.memory_space<vmem>> -> memref<128x32xf32, #tpu.memory_space<vmem>>
    %dma_start3A_90 = arith.constant 1024 : i32
    %dma_start3A_91 = tpu.memref_slice %arg5[%dma_start3A_90] : memref<3200xi32, #tpu.memory_space<vmem>> -> memref<128xi32, #tpu.memory_space<vmem>>
    %dma_start3A_92 = arith.constant 0 : i32
    %dma_start3A_93 = arith.constant 0 : i32
    %dma_start3A_94 = tpu.memref_slice %arg3[%dma_start3A_92, %dma_start3A_93] : memref<1000000x32xf32, #tpu.memory_space<hbm>> -> memref<1000000x32xf32, #tpu.memory_space<hbm>>
    tpu.enqueue_indirect_dma source(%dma_start3A_94 : memref<1000000x32xf32, #tpu.memory_space<hbm>>) target(%dma_start3A_89 : memref<128x32xf32, #tpu.memory_space<vmem>>) offsets(%dma_start3A_91 : memref<128xi32, #tpu.memory_space<vmem>>) semaphore(%arg9 : memref<!tpu.dma_semaphore, #tpu.memory_space<semaphore_mem>>)
    %dma_start3A_95 = arith.constant 1152 : i32
    %dma_start3A_96 = arith.constant 0 : i32
    %dma_start3A_97 = tpu.memref_slice %arg6[%dma_start3A_95, %dma_start3A_96] : memref<3200x32xf32, #tpu.memory_space<vmem>> -> memref<128x32xf32, #tpu.memory_space<vmem>>
    %dma_start3A_98 = arith.constant 1152 : i32
    %dma_start3A_99 = tpu.memref_slice %arg5[%dma_start3A_98] : memref<3200xi32, #tpu.memory_space<vmem>> -> memref<128xi32, #tpu.memory_space<vmem>>
    %dma_start3A_100 = arith.constant 0 : i32
    %dma_start3A_101 = arith.constant 0 : i32
    %dma_start3A_102 = tpu.memref_slice %arg3[%dma_start3A_100, %dma_start3A_101] : memref<1000000x32xf32, #tpu.memory_space<hbm>> -> memref<1000000x32xf32, #tpu.memory_space<hbm>>
    tpu.enqueue_indirect_dma source(%dma_start3A_102 : memref<1000000x32xf32, #tpu.memory_space<hbm>>) target(%dma_start3A_97 : memref<128x32xf32, #tpu.memory_space<vmem>>) offsets(%dma_start3A_99 : memref<128xi32, #tpu.memory_space<vmem>>) semaphore(%arg9 : memref<!tpu.dma_semaphore, #tpu.memory_space<semaphore_mem>>)
    %dma_start3A_103 = arith.constant 1280 : i32
    %dma_start3A_104 = arith.constant 0 : i32
    %dma_start3A_105 = tpu.memref_slice %arg6[%dma_start3A_103, %dma_start3A_104] : memref<3200x32xf32, #tpu.memory_space<vmem>> -> memref<128x32xf32, #tpu.memory_space<vmem>>
    %dma_start3A_106 = arith.constant 1280 : i32
    %dma_start3A_107 = tpu.memref_slice %arg5[%dma_start3A_106] : memref<3200xi32, #tpu.memory_space<vmem>> -> memref<128xi32, #tpu.memory_space<vmem>>
    %dma_start3A_108 = arith.constant 0 : i32
    %dma_start3A_109 = arith.constant 0 : i32
    %dma_start3A_110 = tpu.memref_slice %arg3[%dma_start3A_108, %dma_start3A_109] : memref<1000000x32xf32, #tpu.memory_space<hbm>> -> memref<1000000x32xf32, #tpu.memory_space<hbm>>
    tpu.enqueue_indirect_dma source(%dma_start3A_110 : memref<1000000x32xf32, #tpu.memory_space<hbm>>) target(%dma_start3A_105 : memref<128x32xf32, #tpu.memory_space<vmem>>) offsets(%dma_start3A_107 : memref<128xi32, #tpu.memory_space<vmem>>) semaphore(%arg9 : memref<!tpu.dma_semaphore, #tpu.memory_space<semaphore_mem>>)
    %dma_start3A_111 = arith.constant 1408 : i32
    %dma_start3A_112 = arith.constant 0 : i32
    %dma_start3A_113 = tpu.memref_slice %arg6[%dma_start3A_111, %dma_start3A_112] : memref<3200x32xf32, #tpu.memory_space<vmem>> -> memref<128x32xf32, #tpu.memory_space<vmem>>
    %dma_start3A_114 = arith.constant 1408 : i32
    %dma_start3A_115 = tpu.memref_slice %arg5[%dma_start3A_114] : memref<3200xi32, #tpu.memory_space<vmem>> -> memref<128xi32, #tpu.memory_space<vmem>>
    %dma_start3A_116 = arith.constant 0 : i32
    %dma_start3A_117 = arith.constant 0 : i32
    %dma_start3A_118 = tpu.memref_slice %arg3[%dma_start3A_116, %dma_start3A_117] : memref<1000000x32xf32, #tpu.memory_space<hbm>> -> memref<1000000x32xf32, #tpu.memory_space<hbm>>
    tpu.enqueue_indirect_dma source(%dma_start3A_118 : memref<1000000x32xf32, #tpu.memory_space<hbm>>) target(%dma_start3A_113 : memref<128x32xf32, #tpu.memory_space<vmem>>) offsets(%dma_start3A_115 : memref<128xi32, #tpu.memory_space<vmem>>) semaphore(%arg9 : memref<!tpu.dma_semaphore, #tpu.memory_space<semaphore_mem>>)
    %dma_start3A_119 = arith.constant 1536 : i32
    %dma_start3A_120 = arith.constant 0 : i32
    %dma_start3A_121 = tpu.memref_slice %arg6[%dma_start3A_119, %dma_start3A_120] : memref<3200x32xf32, #tpu.memory_space<vmem>> -> memref<64x32xf32, #tpu.memory_space<vmem>>
    %dma_start3A_122 = arith.constant 1536 : i32
    %dma_start3A_123 = tpu.memref_slice %arg5[%dma_start3A_122] : memref<3200xi32, #tpu.memory_space<vmem>> -> memref<64xi32, #tpu.memory_space<vmem>>
    %dma_start3A_124 = arith.constant 0 : i32
    %dma_start3A_125 = arith.constant 0 : i32
    %dma_start3A_126 = tpu.memref_slice %arg3[%dma_start3A_124, %dma_start3A_125] : memref<1000000x32xf32, #tpu.memory_space<hbm>> -> memref<1000000x32xf32, #tpu.memory_space<hbm>>
    tpu.enqueue_indirect_dma source(%dma_start3A_126 : memref<1000000x32xf32, #tpu.memory_space<hbm>>) target(%dma_start3A_121 : memref<64x32xf32, #tpu.memory_space<vmem>>) offsets(%dma_start3A_123 : memref<64xi32, #tpu.memory_space<vmem>>) semaphore(%arg9 : memref<!tpu.dma_semaphore, #tpu.memory_space<semaphore_mem>>)
    %mul3A_127 = arith.constant 512 : i32
    %mul3A_128 = arith.muli %add3A, %mul3A_127 : i32
    %add3A_129 = arith.constant 32 : i32
    %add3A_130 = arith.addi %mul3A_128, %add3A_129 : i32
    %mul3A_131 = arith.constant 50 : i32
    %mul3A_132 = arith.muli %add3A_130, %mul3A_131 : i32
    %dma_start3A_133 = arith.constant 1600 : i32
    %dma_start3A_134 = tpu.memref_slice %arg5[%dma_start3A_133] : memref<3200xi32, #tpu.memory_space<vmem>> -> memref<1600xi32, #tpu.memory_space<vmem>>
    %dma_start3A_135 = tpu.memref_slice %arg2[%mul3A_132] : memref<819200xi32, #tpu.memory_space<hbm>> -> memref<1600xi32, #tpu.memory_space<hbm>>
    %dma_start3A_136 = arith.constant 1600 : i32
    %dma_start3A_137 = tpu.memref_slice %arg5[%dma_start3A_136] : memref<3200xi32, #tpu.memory_space<vmem>> -> memref<1600xi32, #tpu.memory_space<vmem>>
    %dma_start3A_138 = tpu.memref_slice %arg2[%mul3A_132] : memref<819200xi32, #tpu.memory_space<hbm>> -> memref<1600xi32, #tpu.memory_space<hbm>>
    tpu.enqueue_dma source(%dma_start3A_138 : memref<1600xi32, #tpu.memory_space<hbm>>) target(%dma_start3A_137 : memref<1600xi32, #tpu.memory_space<vmem>>) target_semaphore(%arg8 : memref<!tpu.dma_semaphore, #tpu.memory_space<semaphore_mem>>)
    %scan3A = arith.constant 0 : i32
    %scan3A_139 = arith.constant 0 : i32
    %scan3A_140 = arith.constant 16 : i32
    %scan3A_141 = arith.addi %scan3A_139, %scan3A_140 : i32
    %scan3A_142 = arith.constant 1 : i32
    scf.for %scan3A_152 = %scan3A_139 to %scan3A_141 step %scan3A_142  : i32 {
      %rem3A = arith.constant 2 : i32
      %rem3A_153 = arith.remsi %scan3A_152, %rem3A : i32
      %add3A_154 = arith.constant 1 : i32
      %add3A_155 = arith.addi %scan3A_152, %add3A_154 : i32
      %rem3A_156 = arith.constant 2 : i32
      %rem3A_157 = arith.remsi %add3A_155, %rem3A_156 : i32
      %mul3A_158 = arith.constant 1600 : i32
      %mul3A_159 = arith.muli %rem3A_153, %mul3A_158 : i32
      %add3A_160 = arith.constant 0 : i32
      %add3A_161 = arith.addi %mul3A_159, %add3A_160 : i32
      %mul3A_162 = arith.constant 1600 : i32
      %mul3A_163 = arith.muli %rem3A_153, %mul3A_162 : i32
      %add3A_164 = arith.constant 0 : i32
      %add3A_165 = arith.addi %mul3A_163, %add3A_164 : i32
      %dma_wait3A_166 = arith.constant 0 : i32
      %dma_wait3A_167 = tpu.memref_slice %arg6[%add3A_165, %dma_wait3A_166] : memref<3200x32xf32, #tpu.memory_space<vmem>> -> memref<128x32xf32, #tpu.memory_space<vmem>>
      %dma_wait3A_168 = tpu.memref_slice %arg5[%add3A_161] : memref<3200xi32, #tpu.memory_space<vmem>> -> memref<128xi32, #tpu.memory_space<vmem>>
      %dma_wait3A_169 = arith.constant 0 : i32
      %dma_wait3A_170 = arith.constant 0 : i32
      %dma_wait3A_171 = tpu.memref_slice %arg3[%dma_wait3A_169, %dma_wait3A_170] : memref<1000000x32xf32, #tpu.memory_space<hbm>> -> memref<1000000x32xf32, #tpu.memory_space<hbm>>
      tpu.wait_indirect_dma semaphore(%arg9 : memref<!tpu.dma_semaphore, #tpu.memory_space<semaphore_mem>>) src(%dma_wait3A_171 : memref<1000000x32xf32, #tpu.memory_space<hbm>>) dst(%dma_wait3A_167 : memref<128x32xf32, #tpu.memory_space<vmem>>)
      %mul3A_172 = arith.constant 1600 : i32
      %mul3A_173 = arith.muli %rem3A_153, %mul3A_172 : i32
      %add3A_174 = arith.constant 128 : i32
      %add3A_175 = arith.addi %mul3A_173, %add3A_174 : i32
      %mul3A_176 = arith.constant 1600 : i32
      %mul3A_177 = arith.muli %rem3A_153, %mul3A_176 : i32
      %add3A_178 = arith.constant 128 : i32
      %add3A_179 = arith.addi %mul3A_177, %add3A_178 : i32
      %dma_wait3A_180 = arith.constant 0 : i32
      %dma_wait3A_181 = tpu.memref_slice %arg6[%add3A_179, %dma_wait3A_180] : memref<3200x32xf32, #tpu.memory_space<vmem>> -> memref<128x32xf32, #tpu.memory_space<vmem>>
      %dma_wait3A_182 = tpu.memref_slice %arg5[%add3A_175] : memref<3200xi32, #tpu.memory_space<vmem>> -> memref<128xi32, #tpu.memory_space<vmem>>
      %dma_wait3A_183 = arith.constant 0 : i32
      %dma_wait3A_184 = arith.constant 0 : i32
      %dma_wait3A_185 = tpu.memref_slice %arg3[%dma_wait3A_183, %dma_wait3A_184] : memref<1000000x32xf32, #tpu.memory_space<hbm>> -> memref<1000000x32xf32, #tpu.memory_space<hbm>>
      tpu.wait_indirect_dma semaphore(%arg9 : memref<!tpu.dma_semaphore, #tpu.memory_space<semaphore_mem>>) src(%dma_wait3A_185 : memref<1000000x32xf32, #tpu.memory_space<hbm>>) dst(%dma_wait3A_181 : memref<128x32xf32, #tpu.memory_space<vmem>>)
      %mul3A_186 = arith.constant 1600 : i32
      %mul3A_187 = arith.muli %rem3A_153, %mul3A_186 : i32
      %add3A_188 = arith.constant 256 : i32
      %add3A_189 = arith.addi %mul3A_187, %add3A_188 : i32
      %mul3A_190 = arith.constant 1600 : i32
      %mul3A_191 = arith.muli %rem3A_153, %mul3A_190 : i32
      %add3A_192 = arith.constant 256 : i32
      %add3A_193 = arith.addi %mul3A_191, %add3A_192 : i32
      %dma_wait3A_194 = arith.constant 0 : i32
      %dma_wait3A_195 = tpu.memref_slice %arg6[%add3A_193, %dma_wait3A_194] : memref<3200x32xf32, #tpu.memory_space<vmem>> -> memref<128x32xf32, #tpu.memory_space<vmem>>
      %dma_wait3A_196 = tpu.memref_slice %arg5[%add3A_189] : memref<3200xi32, #tpu.memory_space<vmem>> -> memref<128xi32, #tpu.memory_space<vmem>>
      %dma_wait3A_197 = arith.constant 0 : i32
      %dma_wait3A_198 = arith.constant 0 : i32
      %dma_wait3A_199 = tpu.memref_slice %arg3[%dma_wait3A_197, %dma_wait3A_198] : memref<1000000x32xf32, #tpu.memory_space<hbm>> -> memref<1000000x32xf32, #tpu.memory_space<hbm>>
      tpu.wait_indirect_dma semaphore(%arg9 : memref<!tpu.dma_semaphore, #tpu.memory_space<semaphore_mem>>) src(%dma_wait3A_199 : memref<1000000x32xf32, #tpu.memory_space<hbm>>) dst(%dma_wait3A_195 : memref<128x32xf32, #tpu.memory_space<vmem>>)
      %mul3A_200 = arith.constant 1600 : i32
      %mul3A_201 = arith.muli %rem3A_153, %mul3A_200 : i32
      %add3A_202 = arith.constant 384 : i32
      %add3A_203 = arith.addi %mul3A_201, %add3A_202 : i32
      %mul3A_204 = arith.constant 1600 : i32
      %mul3A_205 = arith.muli %rem3A_153, %mul3A_204 : i32
      %add3A_206 = arith.constant 384 : i32
      %add3A_207 = arith.addi %mul3A_205, %add3A_206 : i32
      %dma_wait3A_208 = arith.constant 0 : i32
      %dma_wait3A_209 = tpu.memref_slice %arg6[%add3A_207, %dma_wait3A_208] : memref<3200x32xf32, #tpu.memory_space<vmem>> -> memref<128x32xf32, #tpu.memory_space<vmem>>
      %dma_wait3A_210 = tpu.memref_slice %arg5[%add3A_203] : memref<3200xi32, #tpu.memory_space<vmem>> -> memref<128xi32, #tpu.memory_space<vmem>>
      %dma_wait3A_211 = arith.constant 0 : i32
      %dma_wait3A_212 = arith.constant 0 : i32
      %dma_wait3A_213 = tpu.memref_slice %arg3[%dma_wait3A_211, %dma_wait3A_212] : memref<1000000x32xf32, #tpu.memory_space<hbm>> -> memref<1000000x32xf32, #tpu.memory_space<hbm>>
      tpu.wait_indirect_dma semaphore(%arg9 : memref<!tpu.dma_semaphore, #tpu.memory_space<semaphore_mem>>) src(%dma_wait3A_213 : memref<1000000x32xf32, #tpu.memory_space<hbm>>) dst(%dma_wait3A_209 : memref<128x32xf32, #tpu.memory_space<vmem>>)
      %mul3A_214 = arith.constant 1600 : i32
      %mul3A_215 = arith.muli %rem3A_153, %mul3A_214 : i32
      %add3A_216 = arith.constant 512 : i32
      %add3A_217 = arith.addi %mul3A_215, %add3A_216 : i32
      %mul3A_218 = arith.constant 1600 : i32
      %mul3A_219 = arith.muli %rem3A_153, %mul3A_218 : i32
      %add3A_220 = arith.constant 512 : i32
      %add3A_221 = arith.addi %mul3A_219, %add3A_220 : i32
      %dma_wait3A_222 = arith.constant 0 : i32
      %dma_wait3A_223 = tpu.memref_slice %arg6[%add3A_221, %dma_wait3A_222] : memref<3200x32xf32, #tpu.memory_space<vmem>> -> memref<128x32xf32, #tpu.memory_space<vmem>>
      %dma_wait3A_224 = tpu.memref_slice %arg5[%add3A_217] : memref<3200xi32, #tpu.memory_space<vmem>> -> memref<128xi32, #tpu.memory_space<vmem>>
      %dma_wait3A_225 = arith.constant 0 : i32
      %dma_wait3A_226 = arith.constant 0 : i32
      %dma_wait3A_227 = tpu.memref_slice %arg3[%dma_wait3A_225, %dma_wait3A_226] : memref<1000000x32xf32, #tpu.memory_space<hbm>> -> memref<1000000x32xf32, #tpu.memory_space<hbm>>
      tpu.wait_indirect_dma semaphore(%arg9 : memref<!tpu.dma_semaphore, #tpu.memory_space<semaphore_mem>>) src(%dma_wait3A_227 : memref<1000000x32xf32, #tpu.memory_space<hbm>>) dst(%dma_wait3A_223 : memref<128x32xf32, #tpu.memory_space<vmem>>)
      %mul3A_228 = arith.constant 1600 : i32
      %mul3A_229 = arith.muli %rem3A_153, %mul3A_228 : i32
      %add3A_230 = arith.constant 640 : i32
      %add3A_231 = arith.addi %mul3A_229, %add3A_230 : i32
      %mul3A_232 = arith.constant 1600 : i32
      %mul3A_233 = arith.muli %rem3A_153, %mul3A_232 : i32
      %add3A_234 = arith.constant 640 : i32
      %add3A_235 = arith.addi %mul3A_233, %add3A_234 : i32
      %dma_wait3A_236 = arith.constant 0 : i32
      %dma_wait3A_237 = tpu.memref_slice %arg6[%add3A_235, %dma_wait3A_236] : memref<3200x32xf32, #tpu.memory_space<vmem>> -> memref<128x32xf32, #tpu.memory_space<vmem>>
      %dma_wait3A_238 = tpu.memref_slice %arg5[%add3A_231] : memref<3200xi32, #tpu.memory_space<vmem>> -> memref<128xi32, #tpu.memory_space<vmem>>
      %dma_wait3A_239 = arith.constant 0 : i32
      %dma_wait3A_240 = arith.constant 0 : i32
      %dma_wait3A_241 = tpu.memref_slice %arg3[%dma_wait3A_239, %dma_wait3A_240] : memref<1000000x32xf32, #tpu.memory_space<hbm>> -> memref<1000000x32xf32, #tpu.memory_space<hbm>>
      tpu.wait_indirect_dma semaphore(%arg9 : memref<!tpu.dma_semaphore, #tpu.memory_space<semaphore_mem>>) src(%dma_wait3A_241 : memref<1000000x32xf32, #tpu.memory_space<hbm>>) dst(%dma_wait3A_237 : memref<128x32xf32, #tpu.memory_space<vmem>>)
      %mul3A_242 = arith.constant 1600 : i32
      %mul3A_243 = arith.muli %rem3A_153, %mul3A_242 : i32
      %add3A_244 = arith.constant 768 : i32
      %add3A_245 = arith.addi %mul3A_243, %add3A_244 : i32
      %mul3A_246 = arith.constant 1600 : i32
      %mul3A_247 = arith.muli %rem3A_153, %mul3A_246 : i32
      %add3A_248 = arith.constant 768 : i32
      %add3A_249 = arith.addi %mul3A_247, %add3A_248 : i32
      %dma_wait3A_250 = arith.constant 0 : i32
      %dma_wait3A_251 = tpu.memref_slice %arg6[%add3A_249, %dma_wait3A_250] : memref<3200x32xf32, #tpu.memory_space<vmem>> -> memref<128x32xf32, #tpu.memory_space<vmem>>
      %dma_wait3A_252 = tpu.memref_slice %arg5[%add3A_245] : memref<3200xi32, #tpu.memory_space<vmem>> -> memref<128xi32, #tpu.memory_space<vmem>>
      %dma_wait3A_253 = arith.constant 0 : i32
      %dma_wait3A_254 = arith.constant 0 : i32
      %dma_wait3A_255 = tpu.memref_slice %arg3[%dma_wait3A_253, %dma_wait3A_254] : memref<1000000x32xf32, #tpu.memory_space<hbm>> -> memref<1000000x32xf32, #tpu.memory_space<hbm>>
      tpu.wait_indirect_dma semaphore(%arg9 : memref<!tpu.dma_semaphore, #tpu.memory_space<semaphore_mem>>) src(%dma_wait3A_255 : memref<1000000x32xf32, #tpu.memory_space<hbm>>) dst(%dma_wait3A_251 : memref<128x32xf32, #tpu.memory_space<vmem>>)
      %mul3A_256 = arith.constant 1600 : i32
      %mul3A_257 = arith.muli %rem3A_153, %mul3A_256 : i32
      %add3A_258 = arith.constant 896 : i32
      %add3A_259 = arith.addi %mul3A_257, %add3A_258 : i32
      %mul3A_260 = arith.constant 1600 : i32
      %mul3A_261 = arith.muli %rem3A_153, %mul3A_260 : i32
      %add3A_262 = arith.constant 896 : i32
      %add3A_263 = arith.addi %mul3A_261, %add3A_262 : i32
      %dma_wait3A_264 = arith.constant 0 : i32
      %dma_wait3A_265 = tpu.memref_slice %arg6[%add3A_263, %dma_wait3A_264] : memref<3200x32xf32, #tpu.memory_space<vmem>> -> memref<128x32xf32, #tpu.memory_space<vmem>>
      %dma_wait3A_266 = tpu.memref_slice %arg5[%add3A_259] : memref<3200xi32, #tpu.memory_space<vmem>> -> memref<128xi32, #tpu.memory_space<vmem>>
      %dma_wait3A_267 = arith.constant 0 : i32
      %dma_wait3A_268 = arith.constant 0 : i32
      %dma_wait3A_269 = tpu.memref_slice %arg3[%dma_wait3A_267, %dma_wait3A_268] : memref<1000000x32xf32, #tpu.memory_space<hbm>> -> memref<1000000x32xf32, #tpu.memory_space<hbm>>
      tpu.wait_indirect_dma semaphore(%arg9 : memref<!tpu.dma_semaphore, #tpu.memory_space<semaphore_mem>>) src(%dma_wait3A_269 : memref<1000000x32xf32, #tpu.memory_space<hbm>>) dst(%dma_wait3A_265 : memref<128x32xf32, #tpu.memory_space<vmem>>)
      %mul3A_270 = arith.constant 1600 : i32
      %mul3A_271 = arith.muli %rem3A_153, %mul3A_270 : i32
      %add3A_272 = arith.constant 1024 : i32
      %add3A_273 = arith.addi %mul3A_271, %add3A_272 : i32
      %mul3A_274 = arith.constant 1600 : i32
      %mul3A_275 = arith.muli %rem3A_153, %mul3A_274 : i32
      %add3A_276 = arith.constant 1024 : i32
      %add3A_277 = arith.addi %mul3A_275, %add3A_276 : i32
      %dma_wait3A_278 = arith.constant 0 : i32
      %dma_wait3A_279 = tpu.memref_slice %arg6[%add3A_277, %dma_wait3A_278] : memref<3200x32xf32, #tpu.memory_space<vmem>> -> memref<128x32xf32, #tpu.memory_space<vmem>>
      %dma_wait3A_280 = tpu.memref_slice %arg5[%add3A_273] : memref<3200xi32, #tpu.memory_space<vmem>> -> memref<128xi32, #tpu.memory_space<vmem>>
      %dma_wait3A_281 = arith.constant 0 : i32
      %dma_wait3A_282 = arith.constant 0 : i32
      %dma_wait3A_283 = tpu.memref_slice %arg3[%dma_wait3A_281, %dma_wait3A_282] : memref<1000000x32xf32, #tpu.memory_space<hbm>> -> memref<1000000x32xf32, #tpu.memory_space<hbm>>
      tpu.wait_indirect_dma semaphore(%arg9 : memref<!tpu.dma_semaphore, #tpu.memory_space<semaphore_mem>>) src(%dma_wait3A_283 : memref<1000000x32xf32, #tpu.memory_space<hbm>>) dst(%dma_wait3A_279 : memref<128x32xf32, #tpu.memory_space<vmem>>)
      %mul3A_284 = arith.constant 1600 : i32
      %mul3A_285 = arith.muli %rem3A_153, %mul3A_284 : i32
      %add3A_286 = arith.constant 1152 : i32
      %add3A_287 = arith.addi %mul3A_285, %add3A_286 : i32
      %mul3A_288 = arith.constant 1600 : i32
      %mul3A_289 = arith.muli %rem3A_153, %mul3A_288 : i32
      %add3A_290 = arith.constant 1152 : i32
      %add3A_291 = arith.addi %mul3A_289, %add3A_290 : i32
      %dma_wait3A_292 = arith.constant 0 : i32
      %dma_wait3A_293 = tpu.memref_slice %arg6[%add3A_291, %dma_wait3A_292] : memref<3200x32xf32, #tpu.memory_space<vmem>> -> memref<128x32xf32, #tpu.memory_space<vmem>>
      %dma_wait3A_294 = tpu.memref_slice %arg5[%add3A_287] : memref<3200xi32, #tpu.memory_space<vmem>> -> memref<128xi32, #tpu.memory_space<vmem>>
      %dma_wait3A_295 = arith.constant 0 : i32
      %dma_wait3A_296 = arith.constant 0 : i32
      %dma_wait3A_297 = tpu.memref_slice %arg3[%dma_wait3A_295, %dma_wait3A_296] : memref<1000000x32xf32, #tpu.memory_space<hbm>> -> memref<1000000x32xf32, #tpu.memory_space<hbm>>
      tpu.wait_indirect_dma semaphore(%arg9 : memref<!tpu.dma_semaphore, #tpu.memory_space<semaphore_mem>>) src(%dma_wait3A_297 : memref<1000000x32xf32, #tpu.memory_space<hbm>>) dst(%dma_wait3A_293 : memref<128x32xf32, #tpu.memory_space<vmem>>)
      %mul3A_298 = arith.constant 1600 : i32
      %mul3A_299 = arith.muli %rem3A_153, %mul3A_298 : i32
      %add3A_300 = arith.constant 1280 : i32
      %add3A_301 = arith.addi %mul3A_299, %add3A_300 : i32
      %mul3A_302 = arith.constant 1600 : i32
      %mul3A_303 = arith.muli %rem3A_153, %mul3A_302 : i32
      %add3A_304 = arith.constant 1280 : i32
      %add3A_305 = arith.addi %mul3A_303, %add3A_304 : i32
      %dma_wait3A_306 = arith.constant 0 : i32
      %dma_wait3A_307 = tpu.memref_slice %arg6[%add3A_305, %dma_wait3A_306] : memref<3200x32xf32, #tpu.memory_space<vmem>> -> memref<128x32xf32, #tpu.memory_space<vmem>>
      %dma_wait3A_308 = tpu.memref_slice %arg5[%add3A_301] : memref<3200xi32, #tpu.memory_space<vmem>> -> memref<128xi32, #tpu.memory_space<vmem>>
      %dma_wait3A_309 = arith.constant 0 : i32
      %dma_wait3A_310 = arith.constant 0 : i32
      %dma_wait3A_311 = tpu.memref_slice %arg3[%dma_wait3A_309, %dma_wait3A_310] : memref<1000000x32xf32, #tpu.memory_space<hbm>> -> memref<1000000x32xf32, #tpu.memory_space<hbm>>
      tpu.wait_indirect_dma semaphore(%arg9 : memref<!tpu.dma_semaphore, #tpu.memory_space<semaphore_mem>>) src(%dma_wait3A_311 : memref<1000000x32xf32, #tpu.memory_space<hbm>>) dst(%dma_wait3A_307 : memref<128x32xf32, #tpu.memory_space<vmem>>)
      %mul3A_312 = arith.constant 1600 : i32
      %mul3A_313 = arith.muli %rem3A_153, %mul3A_312 : i32
      %add3A_314 = arith.constant 1408 : i32
      %add3A_315 = arith.addi %mul3A_313, %add3A_314 : i32
      %mul3A_316 = arith.constant 1600 : i32
      %mul3A_317 = arith.muli %rem3A_153, %mul3A_316 : i32
      %add3A_318 = arith.constant 1408 : i32
      %add3A_319 = arith.addi %mul3A_317, %add3A_318 : i32
      %dma_wait3A_320 = arith.constant 0 : i32
      %dma_wait3A_321 = tpu.memref_slice %arg6[%add3A_319, %dma_wait3A_320] : memref<3200x32xf32, #tpu.memory_space<vmem>> -> memref<128x32xf32, #tpu.memory_space<vmem>>
      %dma_wait3A_322 = tpu.memref_slice %arg5[%add3A_315] : memref<3200xi32, #tpu.memory_space<vmem>> -> memref<128xi32, #tpu.memory_space<vmem>>
      %dma_wait3A_323 = arith.constant 0 : i32
      %dma_wait3A_324 = arith.constant 0 : i32
      %dma_wait3A_325 = tpu.memref_slice %arg3[%dma_wait3A_323, %dma_wait3A_324] : memref<1000000x32xf32, #tpu.memory_space<hbm>> -> memref<1000000x32xf32, #tpu.memory_space<hbm>>
      tpu.wait_indirect_dma semaphore(%arg9 : memref<!tpu.dma_semaphore, #tpu.memory_space<semaphore_mem>>) src(%dma_wait3A_325 : memref<1000000x32xf32, #tpu.memory_space<hbm>>) dst(%dma_wait3A_321 : memref<128x32xf32, #tpu.memory_space<vmem>>)
      %mul3A_326 = arith.constant 1600 : i32
      %mul3A_327 = arith.muli %rem3A_153, %mul3A_326 : i32
      %add3A_328 = arith.constant 1536 : i32
      %add3A_329 = arith.addi %mul3A_327, %add3A_328 : i32
      %mul3A_330 = arith.constant 1600 : i32
      %mul3A_331 = arith.muli %rem3A_153, %mul3A_330 : i32
      %add3A_332 = arith.constant 1536 : i32
      %add3A_333 = arith.addi %mul3A_331, %add3A_332 : i32
      %dma_wait3A_334 = arith.constant 0 : i32
      %dma_wait3A_335 = tpu.memref_slice %arg6[%add3A_333, %dma_wait3A_334] : memref<3200x32xf32, #tpu.memory_space<vmem>> -> memref<64x32xf32, #tpu.memory_space<vmem>>
      %dma_wait3A_336 = tpu.memref_slice %arg5[%add3A_329] : memref<3200xi32, #tpu.memory_space<vmem>> -> memref<64xi32, #tpu.memory_space<vmem>>
      %dma_wait3A_337 = arith.constant 0 : i32
      %dma_wait3A_338 = arith.constant 0 : i32
      %dma_wait3A_339 = tpu.memref_slice %arg3[%dma_wait3A_337, %dma_wait3A_338] : memref<1000000x32xf32, #tpu.memory_space<hbm>> -> memref<1000000x32xf32, #tpu.memory_space<hbm>>
      tpu.wait_indirect_dma semaphore(%arg9 : memref<!tpu.dma_semaphore, #tpu.memory_space<semaphore_mem>>) src(%dma_wait3A_339 : memref<1000000x32xf32, #tpu.memory_space<hbm>>) dst(%dma_wait3A_335 : memref<64x32xf32, #tpu.memory_space<vmem>>)
      %add3A_340 = arith.constant 1 : i32
      %add3A_341 = arith.addi %scan3A_152, %add3A_340 : i32
      %lt3A = arith.constant 16 : i32
      %lt3A_342 = arith.cmpi slt, %add3A_341, %lt3A : i32
      %convert_element_type3A = arith.extui %lt3A_342 : i1 to i32
      %cond3A = arith.constant 0 : i32
      %cond3A_343 = arith.cmpi ne, %convert_element_type3A, %cond3A : i32
      scf.if %cond3A_343 {
        %add3A_372 = arith.constant 1 : i32
        %add3A_373 = arith.addi %scan3A_152, %add3A_372 : i32
        %mul3A_374 = arith.constant 512 : i32
        %mul3A_375 = arith.muli %add3A, %mul3A_374 : i32
        %mul3A_376 = arith.constant 32 : i32
        %mul3A_377 = arith.muli %add3A_373, %mul3A_376 : i32
        %add3A_378 = arith.addi %mul3A_375, %mul3A_377 : i32
        %mul3A_379 = arith.constant 50 : i32
        %mul3A_380 = arith.muli %add3A_378, %mul3A_379 : i32
        %mul3A_381 = arith.constant 1600 : i32
        %mul3A_382 = arith.muli %rem3A_157, %mul3A_381 : i32
        %dma_wait3A_383 = tpu.memref_slice %arg5[%mul3A_382] : memref<3200xi32, #tpu.memory_space<vmem>> -> memref<1600xi32, #tpu.memory_space<vmem>>
        %dma_wait3A_384 = tpu.memref_slice %arg2[%mul3A_380] : memref<819200xi32, #tpu.memory_space<hbm>> -> memref<1600xi32, #tpu.memory_space<hbm>>
        %dma_wait3A_385 = tpu.memref_slice %arg5[%mul3A_382] : memref<3200xi32, #tpu.memory_space<vmem>> -> memref<1600xi32, #tpu.memory_space<vmem>>
        %dma_wait3A_386 = tpu.memref_slice %arg2[%mul3A_380] : memref<819200xi32, #tpu.memory_space<hbm>> -> memref<1600xi32, #tpu.memory_space<hbm>>
        tpu.wait_dma2 semaphore(%arg8 : memref<!tpu.dma_semaphore, #tpu.memory_space<semaphore_mem>>) src(%dma_wait3A_386 : memref<1600xi32, #tpu.memory_space<hbm>>) dst(%dma_wait3A_385 : memref<1600xi32, #tpu.memory_space<vmem>>)
        %mul3A_387 = arith.constant 1600 : i32
        %mul3A_388 = arith.muli %rem3A_157, %mul3A_387 : i32
        %add3A_389 = arith.constant 0 : i32
        %add3A_390 = arith.addi %mul3A_388, %add3A_389 : i32
        %mul3A_391 = arith.constant 1600 : i32
        %mul3A_392 = arith.muli %rem3A_157, %mul3A_391 : i32
        %add3A_393 = arith.constant 0 : i32
        %add3A_394 = arith.addi %mul3A_392, %add3A_393 : i32
        %dma_start3A_395 = arith.constant 0 : i32
        %dma_start3A_396 = tpu.memref_slice %arg6[%add3A_394, %dma_start3A_395] : memref<3200x32xf32, #tpu.memory_space<vmem>> -> memref<128x32xf32, #tpu.memory_space<vmem>>
        %dma_start3A_397 = tpu.memref_slice %arg5[%add3A_390] : memref<3200xi32, #tpu.memory_space<vmem>> -> memref<128xi32, #tpu.memory_space<vmem>>
        %dma_start3A_398 = arith.constant 0 : i32
        %dma_start3A_399 = arith.constant 0 : i32
        %dma_start3A_400 = tpu.memref_slice %arg3[%dma_start3A_398, %dma_start3A_399] : memref<1000000x32xf32, #tpu.memory_space<hbm>> -> memref<1000000x32xf32, #tpu.memory_space<hbm>>
        tpu.enqueue_indirect_dma source(%dma_start3A_400 : memref<1000000x32xf32, #tpu.memory_space<hbm>>) target(%dma_start3A_396 : memref<128x32xf32, #tpu.memory_space<vmem>>) offsets(%dma_start3A_397 : memref<128xi32, #tpu.memory_space<vmem>>) semaphore(%arg9 : memref<!tpu.dma_semaphore, #tpu.memory_space<semaphore_mem>>)
        %mul3A_401 = arith.constant 1600 : i32
        %mul3A_402 = arith.muli %rem3A_157, %mul3A_401 : i32
        %add3A_403 = arith.constant 128 : i32
        %add3A_404 = arith.addi %mul3A_402, %add3A_403 : i32
        %mul3A_405 = arith.constant 1600 : i32
        %mul3A_406 = arith.muli %rem3A_157, %mul3A_405 : i32
        %add3A_407 = arith.constant 128 : i32
        %add3A_408 = arith.addi %mul3A_406, %add3A_407 : i32
        %dma_start3A_409 = arith.constant 0 : i32
        %dma_start3A_410 = tpu.memref_slice %arg6[%add3A_408, %dma_start3A_409] : memref<3200x32xf32, #tpu.memory_space<vmem>> -> memref<128x32xf32, #tpu.memory_space<vmem>>
        %dma_start3A_411 = tpu.memref_slice %arg5[%add3A_404] : memref<3200xi32, #tpu.memory_space<vmem>> -> memref<128xi32, #tpu.memory_space<vmem>>
        %dma_start3A_412 = arith.constant 0 : i32
        %dma_start3A_413 = arith.constant 0 : i32
        %dma_start3A_414 = tpu.memref_slice %arg3[%dma_start3A_412, %dma_start3A_413] : memref<1000000x32xf32, #tpu.memory_space<hbm>> -> memref<1000000x32xf32, #tpu.memory_space<hbm>>
        tpu.enqueue_indirect_dma source(%dma_start3A_414 : memref<1000000x32xf32, #tpu.memory_space<hbm>>) target(%dma_start3A_410 : memref<128x32xf32, #tpu.memory_space<vmem>>) offsets(%dma_start3A_411 : memref<128xi32, #tpu.memory_space<vmem>>) semaphore(%arg9 : memref<!tpu.dma_semaphore, #tpu.memory_space<semaphore_mem>>)
        %mul3A_415 = arith.constant 1600 : i32
        %mul3A_416 = arith.muli %rem3A_157, %mul3A_415 : i32
        %add3A_417 = arith.constant 256 : i32
        %add3A_418 = arith.addi %mul3A_416, %add3A_417 : i32
        %mul3A_419 = arith.constant 1600 : i32
        %mul3A_420 = arith.muli %rem3A_157, %mul3A_419 : i32
        %add3A_421 = arith.constant 256 : i32
        %add3A_422 = arith.addi %mul3A_420, %add3A_421 : i32
        %dma_start3A_423 = arith.constant 0 : i32
        %dma_start3A_424 = tpu.memref_slice %arg6[%add3A_422, %dma_start3A_423] : memref<3200x32xf32, #tpu.memory_space<vmem>> -> memref<128x32xf32, #tpu.memory_space<vmem>>
        %dma_start3A_425 = tpu.memref_slice %arg5[%add3A_418] : memref<3200xi32, #tpu.memory_space<vmem>> -> memref<128xi32, #tpu.memory_space<vmem>>
        %dma_start3A_426 = arith.constant 0 : i32
        %dma_start3A_427 = arith.constant 0 : i32
        %dma_start3A_428 = tpu.memref_slice %arg3[%dma_start3A_426, %dma_start3A_427] : memref<1000000x32xf32, #tpu.memory_space<hbm>> -> memref<1000000x32xf32, #tpu.memory_space<hbm>>
        tpu.enqueue_indirect_dma source(%dma_start3A_428 : memref<1000000x32xf32, #tpu.memory_space<hbm>>) target(%dma_start3A_424 : memref<128x32xf32, #tpu.memory_space<vmem>>) offsets(%dma_start3A_425 : memref<128xi32, #tpu.memory_space<vmem>>) semaphore(%arg9 : memref<!tpu.dma_semaphore, #tpu.memory_space<semaphore_mem>>)
        %mul3A_429 = arith.constant 1600 : i32
        %mul3A_430 = arith.muli %rem3A_157, %mul3A_429 : i32
        %add3A_431 = arith.constant 384 : i32
        %add3A_432 = arith.addi %mul3A_430, %add3A_431 : i32
        %mul3A_433 = arith.constant 1600 : i32
        %mul3A_434 = arith.muli %rem3A_157, %mul3A_433 : i32
        %add3A_435 = arith.constant 384 : i32
        %add3A_436 = arith.addi %mul3A_434, %add3A_435 : i32
        %dma_start3A_437 = arith.constant 0 : i32
        %dma_start3A_438 = tpu.memref_slice %arg6[%add3A_436, %dma_start3A_437] : memref<3200x32xf32, #tpu.memory_space<vmem>> -> memref<128x32xf32, #tpu.memory_space<vmem>>
        %dma_start3A_439 = tpu.memref_slice %arg5[%add3A_432] : memref<3200xi32, #tpu.memory_space<vmem>> -> memref<128xi32, #tpu.memory_space<vmem>>
        %dma_start3A_440 = arith.constant 0 : i32
        %dma_start3A_441 = arith.constant 0 : i32
        %dma_start3A_442 = tpu.memref_slice %arg3[%dma_start3A_440, %dma_start3A_441] : memref<1000000x32xf32, #tpu.memory_space<hbm>> -> memref<1000000x32xf32, #tpu.memory_space<hbm>>
        tpu.enqueue_indirect_dma source(%dma_start3A_442 : memref<1000000x32xf32, #tpu.memory_space<hbm>>) target(%dma_start3A_438 : memref<128x32xf32, #tpu.memory_space<vmem>>) offsets(%dma_start3A_439 : memref<128xi32, #tpu.memory_space<vmem>>) semaphore(%arg9 : memref<!tpu.dma_semaphore, #tpu.memory_space<semaphore_mem>>)
        %mul3A_443 = arith.constant 1600 : i32
        %mul3A_444 = arith.muli %rem3A_157, %mul3A_443 : i32
        %add3A_445 = arith.constant 512 : i32
        %add3A_446 = arith.addi %mul3A_444, %add3A_445 : i32
        %mul3A_447 = arith.constant 1600 : i32
        %mul3A_448 = arith.muli %rem3A_157, %mul3A_447 : i32
        %add3A_449 = arith.constant 512 : i32
        %add3A_450 = arith.addi %mul3A_448, %add3A_449 : i32
        %dma_start3A_451 = arith.constant 0 : i32
        %dma_start3A_452 = tpu.memref_slice %arg6[%add3A_450, %dma_start3A_451] : memref<3200x32xf32, #tpu.memory_space<vmem>> -> memref<128x32xf32, #tpu.memory_space<vmem>>
        %dma_start3A_453 = tpu.memref_slice %arg5[%add3A_446] : memref<3200xi32, #tpu.memory_space<vmem>> -> memref<128xi32, #tpu.memory_space<vmem>>
        %dma_start3A_454 = arith.constant 0 : i32
        %dma_start3A_455 = arith.constant 0 : i32
        %dma_start3A_456 = tpu.memref_slice %arg3[%dma_start3A_454, %dma_start3A_455] : memref<1000000x32xf32, #tpu.memory_space<hbm>> -> memref<1000000x32xf32, #tpu.memory_space<hbm>>
        tpu.enqueue_indirect_dma source(%dma_start3A_456 : memref<1000000x32xf32, #tpu.memory_space<hbm>>) target(%dma_start3A_452 : memref<128x32xf32, #tpu.memory_space<vmem>>) offsets(%dma_start3A_453 : memref<128xi32, #tpu.memory_space<vmem>>) semaphore(%arg9 : memref<!tpu.dma_semaphore, #tpu.memory_space<semaphore_mem>>)
        %mul3A_457 = arith.constant 1600 : i32
        %mul3A_458 = arith.muli %rem3A_157, %mul3A_457 : i32
        %add3A_459 = arith.constant 640 : i32
        %add3A_460 = arith.addi %mul3A_458, %add3A_459 : i32
        %mul3A_461 = arith.constant 1600 : i32
        %mul3A_462 = arith.muli %rem3A_157, %mul3A_461 : i32
        %add3A_463 = arith.constant 640 : i32
        %add3A_464 = arith.addi %mul3A_462, %add3A_463 : i32
        %dma_start3A_465 = arith.constant 0 : i32
        %dma_start3A_466 = tpu.memref_slice %arg6[%add3A_464, %dma_start3A_465] : memref<3200x32xf32, #tpu.memory_space<vmem>> -> memref<128x32xf32, #tpu.memory_space<vmem>>
        %dma_start3A_467 = tpu.memref_slice %arg5[%add3A_460] : memref<3200xi32, #tpu.memory_space<vmem>> -> memref<128xi32, #tpu.memory_space<vmem>>
        %dma_start3A_468 = arith.constant 0 : i32
        %dma_start3A_469 = arith.constant 0 : i32
        %dma_start3A_470 = tpu.memref_slice %arg3[%dma_start3A_468, %dma_start3A_469] : memref<1000000x32xf32, #tpu.memory_space<hbm>> -> memref<1000000x32xf32, #tpu.memory_space<hbm>>
        tpu.enqueue_indirect_dma source(%dma_start3A_470 : memref<1000000x32xf32, #tpu.memory_space<hbm>>) target(%dma_start3A_466 : memref<128x32xf32, #tpu.memory_space<vmem>>) offsets(%dma_start3A_467 : memref<128xi32, #tpu.memory_space<vmem>>) semaphore(%arg9 : memref<!tpu.dma_semaphore, #tpu.memory_space<semaphore_mem>>)
        %mul3A_471 = arith.constant 1600 : i32
        %mul3A_472 = arith.muli %rem3A_157, %mul3A_471 : i32
        %add3A_473 = arith.constant 768 : i32
        %add3A_474 = arith.addi %mul3A_472, %add3A_473 : i32
        %mul3A_475 = arith.constant 1600 : i32
        %mul3A_476 = arith.muli %rem3A_157, %mul3A_475 : i32
        %add3A_477 = arith.constant 768 : i32
        %add3A_478 = arith.addi %mul3A_476, %add3A_477 : i32
        %dma_start3A_479 = arith.constant 0 : i32
        %dma_start3A_480 = tpu.memref_slice %arg6[%add3A_478, %dma_start3A_479] : memref<3200x32xf32, #tpu.memory_space<vmem>> -> memref<128x32xf32, #tpu.memory_space<vmem>>
        %dma_start3A_481 = tpu.memref_slice %arg5[%add3A_474] : memref<3200xi32, #tpu.memory_space<vmem>> -> memref<128xi32, #tpu.memory_space<vmem>>
        %dma_start3A_482 = arith.constant 0 : i32
        %dma_start3A_483 = arith.constant 0 : i32
        %dma_start3A_484 = tpu.memref_slice %arg3[%dma_start3A_482, %dma_start3A_483] : memref<1000000x32xf32, #tpu.memory_space<hbm>> -> memref<1000000x32xf32, #tpu.memory_space<hbm>>
        tpu.enqueue_indirect_dma source(%dma_start3A_484 : memref<1000000x32xf32, #tpu.memory_space<hbm>>) target(%dma_start3A_480 : memref<128x32xf32, #tpu.memory_space<vmem>>) offsets(%dma_start3A_481 : memref<128xi32, #tpu.memory_space<vmem>>) semaphore(%arg9 : memref<!tpu.dma_semaphore, #tpu.memory_space<semaphore_mem>>)
        %mul3A_485 = arith.constant 1600 : i32
        %mul3A_486 = arith.muli %rem3A_157, %mul3A_485 : i32
        %add3A_487 = arith.constant 896 : i32
        %add3A_488 = arith.addi %mul3A_486, %add3A_487 : i32
        %mul3A_489 = arith.constant 1600 : i32
        %mul3A_490 = arith.muli %rem3A_157, %mul3A_489 : i32
        %add3A_491 = arith.constant 896 : i32
        %add3A_492 = arith.addi %mul3A_490, %add3A_491 : i32
        %dma_start3A_493 = arith.constant 0 : i32
        %dma_start3A_494 = tpu.memref_slice %arg6[%add3A_492, %dma_start3A_493] : memref<3200x32xf32, #tpu.memory_space<vmem>> -> memref<128x32xf32, #tpu.memory_space<vmem>>
        %dma_start3A_495 = tpu.memref_slice %arg5[%add3A_488] : memref<3200xi32, #tpu.memory_space<vmem>> -> memref<128xi32, #tpu.memory_space<vmem>>
        %dma_start3A_496 = arith.constant 0 : i32
        %dma_start3A_497 = arith.constant 0 : i32
        %dma_start3A_498 = tpu.memref_slice %arg3[%dma_start3A_496, %dma_start3A_497] : memref<1000000x32xf32, #tpu.memory_space<hbm>> -> memref<1000000x32xf32, #tpu.memory_space<hbm>>
        tpu.enqueue_indirect_dma source(%dma_start3A_498 : memref<1000000x32xf32, #tpu.memory_space<hbm>>) target(%dma_start3A_494 : memref<128x32xf32, #tpu.memory_space<vmem>>) offsets(%dma_start3A_495 : memref<128xi32, #tpu.memory_space<vmem>>) semaphore(%arg9 : memref<!tpu.dma_semaphore, #tpu.memory_space<semaphore_mem>>)
        %mul3A_499 = arith.constant 1600 : i32
        %mul3A_500 = arith.muli %rem3A_157, %mul3A_499 : i32
        %add3A_501 = arith.constant 1024 : i32
        %add3A_502 = arith.addi %mul3A_500, %add3A_501 : i32
        %mul3A_503 = arith.constant 1600 : i32
        %mul3A_504 = arith.muli %rem3A_157, %mul3A_503 : i32
        %add3A_505 = arith.constant 1024 : i32
        %add3A_506 = arith.addi %mul3A_504, %add3A_505 : i32
        %dma_start3A_507 = arith.constant 0 : i32
        %dma_start3A_508 = tpu.memref_slice %arg6[%add3A_506, %dma_start3A_507] : memref<3200x32xf32, #tpu.memory_space<vmem>> -> memref<128x32xf32, #tpu.memory_space<vmem>>
        %dma_start3A_509 = tpu.memref_slice %arg5[%add3A_502] : memref<3200xi32, #tpu.memory_space<vmem>> -> memref<128xi32, #tpu.memory_space<vmem>>
        %dma_start3A_510 = arith.constant 0 : i32
        %dma_start3A_511 = arith.constant 0 : i32
        %dma_start3A_512 = tpu.memref_slice %arg3[%dma_start3A_510, %dma_start3A_511] : memref<1000000x32xf32, #tpu.memory_space<hbm>> -> memref<1000000x32xf32, #tpu.memory_space<hbm>>
        tpu.enqueue_indirect_dma source(%dma_start3A_512 : memref<1000000x32xf32, #tpu.memory_space<hbm>>) target(%dma_start3A_508 : memref<128x32xf32, #tpu.memory_space<vmem>>) offsets(%dma_start3A_509 : memref<128xi32, #tpu.memory_space<vmem>>) semaphore(%arg9 : memref<!tpu.dma_semaphore, #tpu.memory_space<semaphore_mem>>)
        %mul3A_513 = arith.constant 1600 : i32
        %mul3A_514 = arith.muli %rem3A_157, %mul3A_513 : i32
        %add3A_515 = arith.constant 1152 : i32
        %add3A_516 = arith.addi %mul3A_514, %add3A_515 : i32
        %mul3A_517 = arith.constant 1600 : i32
        %mul3A_518 = arith.muli %rem3A_157, %mul3A_517 : i32
        %add3A_519 = arith.constant 1152 : i32
        %add3A_520 = arith.addi %mul3A_518, %add3A_519 : i32
        %dma_start3A_521 = arith.constant 0 : i32
        %dma_start3A_522 = tpu.memref_slice %arg6[%add3A_520, %dma_start3A_521] : memref<3200x32xf32, #tpu.memory_space<vmem>> -> memref<128x32xf32, #tpu.memory_space<vmem>>
        %dma_start3A_523 = tpu.memref_slice %arg5[%add3A_516] : memref<3200xi32, #tpu.memory_space<vmem>> -> memref<128xi32, #tpu.memory_space<vmem>>
        %dma_start3A_524 = arith.constant 0 : i32
        %dma_start3A_525 = arith.constant 0 : i32
        %dma_start3A_526 = tpu.memref_slice %arg3[%dma_start3A_524, %dma_start3A_525] : memref<1000000x32xf32, #tpu.memory_space<hbm>> -> memref<1000000x32xf32, #tpu.memory_space<hbm>>
        tpu.enqueue_indirect_dma source(%dma_start3A_526 : memref<1000000x32xf32, #tpu.memory_space<hbm>>) target(%dma_start3A_522 : memref<128x32xf32, #tpu.memory_space<vmem>>) offsets(%dma_start3A_523 : memref<128xi32, #tpu.memory_space<vmem>>) semaphore(%arg9 : memref<!tpu.dma_semaphore, #tpu.memory_space<semaphore_mem>>)
        %mul3A_527 = arith.constant 1600 : i32
        %mul3A_528 = arith.muli %rem3A_157, %mul3A_527 : i32
        %add3A_529 = arith.constant 1280 : i32
        %add3A_530 = arith.addi %mul3A_528, %add3A_529 : i32
        %mul3A_531 = arith.constant 1600 : i32
        %mul3A_532 = arith.muli %rem3A_157, %mul3A_531 : i32
        %add3A_533 = arith.constant 1280 : i32
        %add3A_534 = arith.addi %mul3A_532, %add3A_533 : i32
        %dma_start3A_535 = arith.constant 0 : i32
        %dma_start3A_536 = tpu.memref_slice %arg6[%add3A_534, %dma_start3A_535] : memref<3200x32xf32, #tpu.memory_space<vmem>> -> memref<128x32xf32, #tpu.memory_space<vmem>>
        %dma_start3A_537 = tpu.memref_slice %arg5[%add3A_530] : memref<3200xi32, #tpu.memory_space<vmem>> -> memref<128xi32, #tpu.memory_space<vmem>>
        %dma_start3A_538 = arith.constant 0 : i32
        %dma_start3A_539 = arith.constant 0 : i32
        %dma_start3A_540 = tpu.memref_slice %arg3[%dma_start3A_538, %dma_start3A_539] : memref<1000000x32xf32, #tpu.memory_space<hbm>> -> memref<1000000x32xf32, #tpu.memory_space<hbm>>
        tpu.enqueue_indirect_dma source(%dma_start3A_540 : memref<1000000x32xf32, #tpu.memory_space<hbm>>) target(%dma_start3A_536 : memref<128x32xf32, #tpu.memory_space<vmem>>) offsets(%dma_start3A_537 : memref<128xi32, #tpu.memory_space<vmem>>) semaphore(%arg9 : memref<!tpu.dma_semaphore, #tpu.memory_space<semaphore_mem>>)
        %mul3A_541 = arith.constant 1600 : i32
        %mul3A_542 = arith.muli %rem3A_157, %mul3A_541 : i32
        %add3A_543 = arith.constant 1408 : i32
        %add3A_544 = arith.addi %mul3A_542, %add3A_543 : i32
        %mul3A_545 = arith.constant 1600 : i32
        %mul3A_546 = arith.muli %rem3A_157, %mul3A_545 : i32
        %add3A_547 = arith.constant 1408 : i32
        %add3A_548 = arith.addi %mul3A_546, %add3A_547 : i32
        %dma_start3A_549 = arith.constant 0 : i32
        %dma_start3A_550 = tpu.memref_slice %arg6[%add3A_548, %dma_start3A_549] : memref<3200x32xf32, #tpu.memory_space<vmem>> -> memref<128x32xf32, #tpu.memory_space<vmem>>
        %dma_start3A_551 = tpu.memref_slice %arg5[%add3A_544] : memref<3200xi32, #tpu.memory_space<vmem>> -> memref<128xi32, #tpu.memory_space<vmem>>
        %dma_start3A_552 = arith.constant 0 : i32
        %dma_start3A_553 = arith.constant 0 : i32
        %dma_start3A_554 = tpu.memref_slice %arg3[%dma_start3A_552, %dma_start3A_553] : memref<1000000x32xf32, #tpu.memory_space<hbm>> -> memref<1000000x32xf32, #tpu.memory_space<hbm>>
        tpu.enqueue_indirect_dma source(%dma_start3A_554 : memref<1000000x32xf32, #tpu.memory_space<hbm>>) target(%dma_start3A_550 : memref<128x32xf32, #tpu.memory_space<vmem>>) offsets(%dma_start3A_551 : memref<128xi32, #tpu.memory_space<vmem>>) semaphore(%arg9 : memref<!tpu.dma_semaphore, #tpu.memory_space<semaphore_mem>>)
        %mul3A_555 = arith.constant 1600 : i32
        %mul3A_556 = arith.muli %rem3A_157, %mul3A_555 : i32
        %add3A_557 = arith.constant 1536 : i32
        %add3A_558 = arith.addi %mul3A_556, %add3A_557 : i32
        %mul3A_559 = arith.constant 1600 : i32
        %mul3A_560 = arith.muli %rem3A_157, %mul3A_559 : i32
        %add3A_561 = arith.constant 1536 : i32
        %add3A_562 = arith.addi %mul3A_560, %add3A_561 : i32
        %dma_start3A_563 = arith.constant 0 : i32
        %dma_start3A_564 = tpu.memref_slice %arg6[%add3A_562, %dma_start3A_563] : memref<3200x32xf32, #tpu.memory_space<vmem>> -> memref<64x32xf32, #tpu.memory_space<vmem>>
        %dma_start3A_565 = tpu.memref_slice %arg5[%add3A_558] : memref<3200xi32, #tpu.memory_space<vmem>> -> memref<64xi32, #tpu.memory_space<vmem>>
        %dma_start3A_566 = arith.constant 0 : i32
        %dma_start3A_567 = arith.constant 0 : i32
        %dma_start3A_568 = tpu.memref_slice %arg3[%dma_start3A_566, %dma_start3A_567] : memref<1000000x32xf32, #tpu.memory_space<hbm>> -> memref<1000000x32xf32, #tpu.memory_space<hbm>>
        tpu.enqueue_indirect_dma source(%dma_start3A_568 : memref<1000000x32xf32, #tpu.memory_space<hbm>>) target(%dma_start3A_564 : memref<64x32xf32, #tpu.memory_space<vmem>>) offsets(%dma_start3A_565 : memref<64xi32, #tpu.memory_space<vmem>>) semaphore(%arg9 : memref<!tpu.dma_semaphore, #tpu.memory_space<semaphore_mem>>)
      } else {
      }
      %add3A_344 = arith.constant 2 : i32
      %add3A_345 = arith.addi %scan3A_152, %add3A_344 : i32
      %lt3A_346 = arith.constant 16 : i32
      %lt3A_347 = arith.cmpi slt, %add3A_345, %lt3A_346 : i32
      %convert_element_type3A_348 = arith.extui %lt3A_347 : i1 to i32
      %cond3A_349 = arith.constant 0 : i32
      %cond3A_350 = arith.cmpi ne, %convert_element_type3A_348, %cond3A_349 : i32
      scf.if %cond3A_350 {
        %add3A_372 = arith.constant 2 : i32
        %add3A_373 = arith.addi %scan3A_152, %add3A_372 : i32
        %mul3A_374 = arith.constant 512 : i32
        %mul3A_375 = arith.muli %add3A, %mul3A_374 : i32
        %mul3A_376 = arith.constant 32 : i32
        %mul3A_377 = arith.muli %add3A_373, %mul3A_376 : i32
        %add3A_378 = arith.addi %mul3A_375, %mul3A_377 : i32
        %mul3A_379 = arith.constant 50 : i32
        %mul3A_380 = arith.muli %add3A_378, %mul3A_379 : i32
        %mul3A_381 = arith.constant 1600 : i32
        %mul3A_382 = arith.muli %rem3A_153, %mul3A_381 : i32
        %dma_start3A_383 = tpu.memref_slice %arg5[%mul3A_382] : memref<3200xi32, #tpu.memory_space<vmem>> -> memref<1600xi32, #tpu.memory_space<vmem>>
        %dma_start3A_384 = tpu.memref_slice %arg2[%mul3A_380] : memref<819200xi32, #tpu.memory_space<hbm>> -> memref<1600xi32, #tpu.memory_space<hbm>>
        %dma_start3A_385 = tpu.memref_slice %arg5[%mul3A_382] : memref<3200xi32, #tpu.memory_space<vmem>> -> memref<1600xi32, #tpu.memory_space<vmem>>
        %dma_start3A_386 = tpu.memref_slice %arg2[%mul3A_380] : memref<819200xi32, #tpu.memory_space<hbm>> -> memref<1600xi32, #tpu.memory_space<hbm>>
        tpu.enqueue_dma source(%dma_start3A_386 : memref<1600xi32, #tpu.memory_space<hbm>>) target(%dma_start3A_385 : memref<1600xi32, #tpu.memory_space<vmem>>) target_semaphore(%arg8 : memref<!tpu.dma_semaphore, #tpu.memory_space<semaphore_mem>>)
      } else {
      }
      %gt3A = arith.constant 0 : i32
      %gt3A_351 = arith.cmpi sgt, %scan3A_152, %gt3A : i32
      %convert_element_type3A_352 = arith.extui %gt3A_351 : i1 to i32
      %cond3A_353 = arith.constant 0 : i32
      %cond3A_354 = arith.cmpi ne, %convert_element_type3A_352, %cond3A_353 : i32
      scf.if %cond3A_354 {
        %sub3A = arith.constant 1 : i32
        %sub3A_372 = arith.subi %scan3A_152, %sub3A : i32
        %mul3A_373 = arith.constant 512 : i32
        %mul3A_374 = arith.muli %add3A, %mul3A_373 : i32
        %mul3A_375 = arith.constant 32 : i32
        %mul3A_376 = arith.muli %sub3A_372, %mul3A_375 : i32
        %add3A_377 = arith.addi %mul3A_374, %mul3A_376 : i32
        %dma_wait3A_378 = arith.constant 0 : i32
        %dma_wait3A_379 = tpu.memref_slice %arg4[%add3A_377, %dma_wait3A_378] : memref<16384x32xf32, #tpu.memory_space<hbm>> -> memref<32x32xf32, #tpu.memory_space<hbm>>
        %dma_wait3A_380 = arith.constant 0 : i32
        %dma_wait3A_381 = tpu.memref_slice %arg4[%add3A_377, %dma_wait3A_380] : memref<16384x32xf32, #tpu.memory_space<hbm>> -> memref<32x32xf32, #tpu.memory_space<hbm>>
        tpu.wait_dma2 semaphore(%arg10 : memref<!tpu.dma_semaphore, #tpu.memory_space<semaphore_mem>>) src(%arg7 : memref<32x32xf32, #tpu.memory_space<vmem>>) dst(%dma_wait3A_381 : memref<32x32xf32, #tpu.memory_space<hbm>>)
      } else {
      }
      %mul3A_355 = arith.constant 1600 : i32
      %mul3A_356 = arith.muli %rem3A_153, %mul3A_355 : i32
      %scan3A_357 = arith.constant 0 : i32
      %scan3A_358 = arith.constant 0 : i32
      %scan3A_359 = arith.constant 32 : i32
      %scan3A_360 = arith.addi %scan3A_358, %scan3A_359 : i32
      %scan3A_361 = arith.constant 1 : i32
      scf.for %scan3A_372 = %scan3A_358 to %scan3A_360 step %scan3A_361  : i32 {
        %mul3A_373 = arith.constant 50 : i32
        %mul3A_374 = arith.muli %scan3A_372, %mul3A_373 : i32
        %add3A_375 = arith.addi %mul3A_356, %mul3A_374 : i32
        %add3A_376 = arith.constant 0 : i32
        %add3A_377 = arith.addi %add3A_375, %add3A_376 : i32
        %get3A = arith.index_cast %add3A_377 : i32 to index
        %get3A_378 = arith.constant 0 : index
        %get3A_379 = tpu.vector_load %arg6[%get3A, %get3A_378] {strides = array<i32>} : memref<3200x32xf32, #tpu.memory_space<vmem>>, vector<1x16xf32>,
        %get3A_380 = vector.shape_cast %get3A_379 : vector<1x16xf32> to vector<16xf32>
        %add3A_381 = arith.constant 1 : i32
        %add3A_382 = arith.addi %add3A_375, %add3A_381 : i32
        %get3A_383 = arith.index_cast %add3A_382 : i32 to index
        %get3A_384 = arith.constant 0 : index
        %get3A_385 = tpu.vector_load %arg6[%get3A_383, %get3A_384] {strides = array<i32>} : memref<3200x32xf32, #tpu.memory_space<vmem>>, vector<1x16xf32>,
        %get3A_386 = vector.shape_cast %get3A_385 : vector<1x16xf32> to vector<16xf32>
        %add3A_387 = arith.constant 2 : i32
        %add3A_388 = arith.addi %add3A_375, %add3A_387 : i32
        %get3A_389 = arith.index_cast %add3A_388 : i32 to index
        %get3A_390 = arith.constant 0 : index
        %get3A_391 = tpu.vector_load %arg6[%get3A_389, %get3A_390] {strides = array<i32>} : memref<3200x32xf32, #tpu.memory_space<vmem>>, vector<1x16xf32>,
        %get3A_392 = vector.shape_cast %get3A_391 : vector<1x16xf32> to vector<16xf32>
        %add3A_393 = arith.constant 3 : i32
        %add3A_394 = arith.addi %add3A_375, %add3A_393 : i32
        %get3A_395 = arith.index_cast %add3A_394 : i32 to index
        %get3A_396 = arith.constant 0 : index
        %get3A_397 = tpu.vector_load %arg6[%get3A_395, %get3A_396] {strides = array<i32>} : memref<3200x32xf32, #tpu.memory_space<vmem>>, vector<1x16xf32>,
        %get3A_398 = vector.shape_cast %get3A_397 : vector<1x16xf32> to vector<16xf32>
        %add3A_399 = arith.constant 0 : i32
        %add3A_400 = arith.addi %add3A_375, %add3A_399 : i32
        %get3A_401 = arith.index_cast %add3A_400 : i32 to index
        %get3A_402 = arith.constant 16 : index
        %get3A_403 = tpu.vector_load %arg6[%get3A_401, %get3A_402] {strides = array<i32>} : memref<3200x32xf32, #tpu.memory_space<vmem>>, vector<1x16xf32>,
        %get3A_404 = vector.shape_cast %get3A_403 : vector<1x16xf32> to vector<16xf32>
        %add3A_405 = arith.constant 1 : i32
        %add3A_406 = arith.addi %add3A_375, %add3A_405 : i32
        %get3A_407 = arith.index_cast %add3A_406 : i32 to index
        %get3A_408 = arith.constant 16 : index
        %get3A_409 = tpu.vector_load %arg6[%get3A_407, %get3A_408] {strides = array<i32>} : memref<3200x32xf32, #tpu.memory_space<vmem>>, vector<1x16xf32>,
        %get3A_410 = vector.shape_cast %get3A_409 : vector<1x16xf32> to vector<16xf32>
        %add3A_411 = arith.constant 2 : i32
        %add3A_412 = arith.addi %add3A_375, %add3A_411 : i32
        %get3A_413 = arith.index_cast %add3A_412 : i32 to index
        %get3A_414 = arith.constant 16 : index
        %get3A_415 = tpu.vector_load %arg6[%get3A_413, %get3A_414] {strides = array<i32>} : memref<3200x32xf32, #tpu.memory_space<vmem>>, vector<1x16xf32>,
        %get3A_416 = vector.shape_cast %get3A_415 : vector<1x16xf32> to vector<16xf32>
        %add3A_417 = arith.constant 3 : i32
        %add3A_418 = arith.addi %add3A_375, %add3A_417 : i32
        %get3A_419 = arith.index_cast %add3A_418 : i32 to index
        %get3A_420 = arith.constant 16 : index
        %get3A_421 = tpu.vector_load %arg6[%get3A_419, %get3A_420] {strides = array<i32>} : memref<3200x32xf32, #tpu.memory_space<vmem>>, vector<1x16xf32>,
        %get3A_422 = vector.shape_cast %get3A_421 : vector<1x16xf32> to vector<16xf32>
        %add3A_423 = arith.constant 4 : i32
        %add3A_424 = arith.addi %add3A_375, %add3A_423 : i32
        %get3A_425 = arith.index_cast %add3A_424 : i32 to index
        %get3A_426 = arith.constant 0 : index
        %get3A_427 = tpu.vector_load %arg6[%get3A_425, %get3A_426] {strides = array<i32>} : memref<3200x32xf32, #tpu.memory_space<vmem>>, vector<1x16xf32>,
        %get3A_428 = vector.shape_cast %get3A_427 : vector<1x16xf32> to vector<16xf32>
        %add3A_429 = arith.addf %get3A_380, %get3A_428 : vector<16xf32>
        %add3A_430 = arith.constant 4 : i32
        %add3A_431 = arith.addi %add3A_375, %add3A_430 : i32
        %get3A_432 = arith.index_cast %add3A_431 : i32 to index
        %get3A_433 = arith.constant 16 : index
        %get3A_434 = tpu.vector_load %arg6[%get3A_432, %get3A_433] {strides = array<i32>} : memref<3200x32xf32, #tpu.memory_space<vmem>>, vector<1x16xf32>,
        %get3A_435 = vector.shape_cast %get3A_434 : vector<1x16xf32> to vector<16xf32>
        %add3A_436 = arith.addf %get3A_404, %get3A_435 : vector<16xf32>
        %add3A_437 = arith.constant 5 : i32
        %add3A_438 = arith.addi %add3A_375, %add3A_437 : i32
        %get3A_439 = arith.index_cast %add3A_438 : i32 to index
        %get3A_440 = arith.constant 0 : index
        %get3A_441 = tpu.vector_load %arg6[%get3A_439, %get3A_440] {strides = array<i32>} : memref<3200x32xf32, #tpu.memory_space<vmem>>, vector<1x16xf32>,
        %get3A_442 = vector.shape_cast %get3A_441 : vector<1x16xf32> to vector<16xf32>
        %add3A_443 = arith.addf %get3A_386, %get3A_442 : vector<16xf32>
        %add3A_444 = arith.constant 5 : i32
        %add3A_445 = arith.addi %add3A_375, %add3A_444 : i32
        %get3A_446 = arith.index_cast %add3A_445 : i32 to index
        %get3A_447 = arith.constant 16 : index
        %get3A_448 = tpu.vector_load %arg6[%get3A_446, %get3A_447] {strides = array<i32>} : memref<3200x32xf32, #tpu.memory_space<vmem>>, vector<1x16xf32>,
        %get3A_449 = vector.shape_cast %get3A_448 : vector<1x16xf32> to vector<16xf32>
        %add3A_450 = arith.addf %get3A_410, %get3A_449 : vector<16xf32>
        %add3A_451 = arith.constant 6 : i32
        %add3A_452 = arith.addi %add3A_375, %add3A_451 : i32
        %get3A_453 = arith.index_cast %add3A_452 : i32 to index
        %get3A_454 = arith.constant 0 : index
        %get3A_455 = tpu.vector_load %arg6[%get3A_453, %get3A_454] {strides = array<i32>} : memref<3200x32xf32, #tpu.memory_space<vmem>>, vector<1x16xf32>,
        %get3A_456 = vector.shape_cast %get3A_455 : vector<1x16xf32> to vector<16xf32>
        %add3A_457 = arith.addf %get3A_392, %get3A_456 : vector<16xf32>
        %add3A_458 = arith.constant 6 : i32
        %add3A_459 = arith.addi %add3A_375, %add3A_458 : i32
        %get3A_460 = arith.index_cast %add3A_459 : i32 to index
        %get3A_461 = arith.constant 16 : index
        %get3A_462 = tpu.vector_load %arg6[%get3A_460, %get3A_461] {strides = array<i32>} : memref<3200x32xf32, #tpu.memory_space<vmem>>, vector<1x16xf32>,
        %get3A_463 = vector.shape_cast %get3A_462 : vector<1x16xf32> to vector<16xf32>
        %add3A_464 = arith.addf %get3A_416, %get3A_463 : vector<16xf32>
        %add3A_465 = arith.constant 7 : i32
        %add3A_466 = arith.addi %add3A_375, %add3A_465 : i32
        %get3A_467 = arith.index_cast %add3A_466 : i32 to index
        %get3A_468 = arith.constant 0 : index
        %get3A_469 = tpu.vector_load %arg6[%get3A_467, %get3A_468] {strides = array<i32>} : memref<3200x32xf32, #tpu.memory_space<vmem>>, vector<1x16xf32>,
        %get3A_470 = vector.shape_cast %get3A_469 : vector<1x16xf32> to vector<16xf32>
        %add3A_471 = arith.addf %get3A_398, %get3A_470 : vector<16xf32>
        %add3A_472 = arith.constant 7 : i32
        %add3A_473 = arith.addi %add3A_375, %add3A_472 : i32
        %get3A_474 = arith.index_cast %add3A_473 : i32 to index
        %get3A_475 = arith.constant 16 : index
        %get3A_476 = tpu.vector_load %arg6[%get3A_474, %get3A_475] {strides = array<i32>} : memref<3200x32xf32, #tpu.memory_space<vmem>>, vector<1x16xf32>,
        %get3A_477 = vector.shape_cast %get3A_476 : vector<1x16xf32> to vector<16xf32>
        %add3A_478 = arith.addf %get3A_422, %get3A_477 : vector<16xf32>
        %add3A_479 = arith.constant 8 : i32
        %add3A_480 = arith.addi %add3A_375, %add3A_479 : i32
        %get3A_481 = arith.index_cast %add3A_480 : i32 to index
        %get3A_482 = arith.constant 0 : index
        %get3A_483 = tpu.vector_load %arg6[%get3A_481, %get3A_482] {strides = array<i32>} : memref<3200x32xf32, #tpu.memory_space<vmem>>, vector<1x16xf32>,
        %get3A_484 = vector.shape_cast %get3A_483 : vector<1x16xf32> to vector<16xf32>
        %add3A_485 = arith.addf %add3A_429, %get3A_484 : vector<16xf32>
        %add3A_486 = arith.constant 8 : i32
        %add3A_487 = arith.addi %add3A_375, %add3A_486 : i32
        %get3A_488 = arith.index_cast %add3A_487 : i32 to index
        %get3A_489 = arith.constant 16 : index
        %get3A_490 = tpu.vector_load %arg6[%get3A_488, %get3A_489] {strides = array<i32>} : memref<3200x32xf32, #tpu.memory_space<vmem>>, vector<1x16xf32>,
        %get3A_491 = vector.shape_cast %get3A_490 : vector<1x16xf32> to vector<16xf32>
        %add3A_492 = arith.addf %add3A_436, %get3A_491 : vector<16xf32>
        %add3A_493 = arith.constant 9 : i32
        %add3A_494 = arith.addi %add3A_375, %add3A_493 : i32
        %get3A_495 = arith.index_cast %add3A_494 : i32 to index
        %get3A_496 = arith.constant 0 : index
        %get3A_497 = tpu.vector_load %arg6[%get3A_495, %get3A_496] {strides = array<i32>} : memref<3200x32xf32, #tpu.memory_space<vmem>>, vector<1x16xf32>,
        %get3A_498 = vector.shape_cast %get3A_497 : vector<1x16xf32> to vector<16xf32>
        %add3A_499 = arith.addf %add3A_443, %get3A_498 : vector<16xf32>
        %add3A_500 = arith.constant 9 : i32
        %add3A_501 = arith.addi %add3A_375, %add3A_500 : i32
        %get3A_502 = arith.index_cast %add3A_501 : i32 to index
        %get3A_503 = arith.constant 16 : index
        %get3A_504 = tpu.vector_load %arg6[%get3A_502, %get3A_503] {strides = array<i32>} : memref<3200x32xf32, #tpu.memory_space<vmem>>, vector<1x16xf32>,
        %get3A_505 = vector.shape_cast %get3A_504 : vector<1x16xf32> to vector<16xf32>
        %add3A_506 = arith.addf %add3A_450, %get3A_505 : vector<16xf32>
        %add3A_507 = arith.constant 10 : i32
        %add3A_508 = arith.addi %add3A_375, %add3A_507 : i32
        %get3A_509 = arith.index_cast %add3A_508 : i32 to index
        %get3A_510 = arith.constant 0 : index
        %get3A_511 = tpu.vector_load %arg6[%get3A_509, %get3A_510] {strides = array<i32>} : memref<3200x32xf32, #tpu.memory_space<vmem>>, vector<1x16xf32>,
        %get3A_512 = vector.shape_cast %get3A_511 : vector<1x16xf32> to vector<16xf32>
        %add3A_513 = arith.addf %add3A_457, %get3A_512 : vector<16xf32>
        %add3A_514 = arith.constant 10 : i32
        %add3A_515 = arith.addi %add3A_375, %add3A_514 : i32
        %get3A_516 = arith.index_cast %add3A_515 : i32 to index
        %get3A_517 = arith.constant 16 : index
        %get3A_518 = tpu.vector_load %arg6[%get3A_516, %get3A_517] {strides = array<i32>} : memref<3200x32xf32, #tpu.memory_space<vmem>>, vector<1x16xf32>,
        %get3A_519 = vector.shape_cast %get3A_518 : vector<1x16xf32> to vector<16xf32>
        %add3A_520 = arith.addf %add3A_464, %get3A_519 : vector<16xf32>
        %add3A_521 = arith.constant 11 : i32
        %add3A_522 = arith.addi %add3A_375, %add3A_521 : i32
        %get3A_523 = arith.index_cast %add3A_522 : i32 to index
        %get3A_524 = arith.constant 0 : index
        %get3A_525 = tpu.vector_load %arg6[%get3A_523, %get3A_524] {strides = array<i32>} : memref<3200x32xf32, #tpu.memory_space<vmem>>, vector<1x16xf32>,
        %get3A_526 = vector.shape_cast %get3A_525 : vector<1x16xf32> to vector<16xf32>
        %add3A_527 = arith.addf %add3A_471, %get3A_526 : vector<16xf32>
        %add3A_528 = arith.constant 11 : i32
        %add3A_529 = arith.addi %add3A_375, %add3A_528 : i32
        %get3A_530 = arith.index_cast %add3A_529 : i32 to index
        %get3A_531 = arith.constant 16 : index
        %get3A_532 = tpu.vector_load %arg6[%get3A_530, %get3A_531] {strides = array<i32>} : memref<3200x32xf32, #tpu.memory_space<vmem>>, vector<1x16xf32>,
        %get3A_533 = vector.shape_cast %get3A_532 : vector<1x16xf32> to vector<16xf32>
        %add3A_534 = arith.addf %add3A_478, %get3A_533 : vector<16xf32>
        %add3A_535 = arith.constant 12 : i32
        %add3A_536 = arith.addi %add3A_375, %add3A_535 : i32
        %get3A_537 = arith.index_cast %add3A_536 : i32 to index
        %get3A_538 = arith.constant 0 : index
        %get3A_539 = tpu.vector_load %arg6[%get3A_537, %get3A_538] {strides = array<i32>} : memref<3200x32xf32, #tpu.memory_space<vmem>>, vector<1x16xf32>,
        %get3A_540 = vector.shape_cast %get3A_539 : vector<1x16xf32> to vector<16xf32>
        %add3A_541 = arith.addf %add3A_485, %get3A_540 : vector<16xf32>
        %add3A_542 = arith.constant 12 : i32
        %add3A_543 = arith.addi %add3A_375, %add3A_542 : i32
        %get3A_544 = arith.index_cast %add3A_543 : i32 to index
        %get3A_545 = arith.constant 16 : index
        %get3A_546 = tpu.vector_load %arg6[%get3A_544, %get3A_545] {strides = array<i32>} : memref<3200x32xf32, #tpu.memory_space<vmem>>, vector<1x16xf32>,
        %get3A_547 = vector.shape_cast %get3A_546 : vector<1x16xf32> to vector<16xf32>
        %add3A_548 = arith.addf %add3A_492, %get3A_547 : vector<16xf32>
        %add3A_549 = arith.constant 13 : i32
        %add3A_550 = arith.addi %add3A_375, %add3A_549 : i32
        %get3A_551 = arith.index_cast %add3A_550 : i32 to index
        %get3A_552 = arith.constant 0 : index
        %get3A_553 = tpu.vector_load %arg6[%get3A_551, %get3A_552] {strides = array<i32>} : memref<3200x32xf32, #tpu.memory_space<vmem>>, vector<1x16xf32>,
        %get3A_554 = vector.shape_cast %get3A_553 : vector<1x16xf32> to vector<16xf32>
        %add3A_555 = arith.addf %add3A_499, %get3A_554 : vector<16xf32>
        %add3A_556 = arith.constant 13 : i32
        %add3A_557 = arith.addi %add3A_375, %add3A_556 : i32
        %get3A_558 = arith.index_cast %add3A_557 : i32 to index
        %get3A_559 = arith.constant 16 : index
        %get3A_560 = tpu.vector_load %arg6[%get3A_558, %get3A_559] {strides = array<i32>} : memref<3200x32xf32, #tpu.memory_space<vmem>>, vector<1x16xf32>,
        %get3A_561 = vector.shape_cast %get3A_560 : vector<1x16xf32> to vector<16xf32>
        %add3A_562 = arith.addf %add3A_506, %get3A_561 : vector<16xf32>
        %add3A_563 = arith.constant 14 : i32
        %add3A_564 = arith.addi %add3A_375, %add3A_563 : i32
        %get3A_565 = arith.index_cast %add3A_564 : i32 to index
        %get3A_566 = arith.constant 0 : index
        %get3A_567 = tpu.vector_load %arg6[%get3A_565, %get3A_566] {strides = array<i32>} : memref<3200x32xf32, #tpu.memory_space<vmem>>, vector<1x16xf32>,
        %get3A_568 = vector.shape_cast %get3A_567 : vector<1x16xf32> to vector<16xf32>
        %add3A_569 = arith.addf %add3A_513, %get3A_568 : vector<16xf32>
        %add3A_570 = arith.constant 14 : i32
        %add3A_571 = arith.addi %add3A_375, %add3A_570 : i32
        %get3A_572 = arith.index_cast %add3A_571 : i32 to index
        %get3A_573 = arith.constant 16 : index
        %get3A_574 = tpu.vector_load %arg6[%get3A_572, %get3A_573] {strides = array<i32>} : memref<3200x32xf32, #tpu.memory_space<vmem>>, vector<1x16xf32>,
        %get3A_575 = vector.shape_cast %get3A_574 : vector<1x16xf32> to vector<16xf32>
        %add3A_576 = arith.addf %add3A_520, %get3A_575 : vector<16xf32>
        %add3A_577 = arith.constant 15 : i32
        %add3A_578 = arith.addi %add3A_375, %add3A_577 : i32
        %get3A_579 = arith.index_cast %add3A_578 : i32 to index
        %get3A_580 = arith.constant 0 : index
        %get3A_581 = tpu.vector_load %arg6[%get3A_579, %get3A_580] {strides = array<i32>} : memref<3200x32xf32, #tpu.memory_space<vmem>>, vector<1x16xf32>,
        %get3A_582 = vector.shape_cast %get3A_581 : vector<1x16xf32> to vector<16xf32>
        %add3A_583 = arith.addf %add3A_527, %get3A_582 : vector<16xf32>
        %add3A_584 = arith.constant 15 : i32
        %add3A_585 = arith.addi %add3A_375, %add3A_584 : i32
        %get3A_586 = arith.index_cast %add3A_585 : i32 to index
        %get3A_587 = arith.constant 16 : index
        %get3A_588 = tpu.vector_load %arg6[%get3A_586, %get3A_587] {strides = array<i32>} : memref<3200x32xf32, #tpu.memory_space<vmem>>, vector<1x16xf32>,
        %get3A_589 = vector.shape_cast %get3A_588 : vector<1x16xf32> to vector<16xf32>
        %add3A_590 = arith.addf %add3A_534, %get3A_589 : vector<16xf32>
        %add3A_591 = arith.constant 16 : i32
        %add3A_592 = arith.addi %add3A_375, %add3A_591 : i32
        %get3A_593 = arith.index_cast %add3A_592 : i32 to index
        %get3A_594 = arith.constant 0 : index
        %get3A_595 = tpu.vector_load %arg6[%get3A_593, %get3A_594] {strides = array<i32>} : memref<3200x32xf32, #tpu.memory_space<vmem>>, vector<1x16xf32>,
        %get3A_596 = vector.shape_cast %get3A_595 : vector<1x16xf32> to vector<16xf32>
        %add3A_597 = arith.addf %add3A_541, %get3A_596 : vector<16xf32>
        %add3A_598 = arith.constant 16 : i32
        %add3A_599 = arith.addi %add3A_375, %add3A_598 : i32
        %get3A_600 = arith.index_cast %add3A_599 : i32 to index
        %get3A_601 = arith.constant 16 : index
        %get3A_602 = tpu.vector_load %arg6[%get3A_600, %get3A_601] {strides = array<i32>} : memref<3200x32xf32, #tpu.memory_space<vmem>>, vector<1x16xf32>,
        %get3A_603 = vector.shape_cast %get3A_602 : vector<1x16xf32> to vector<16xf32>
        %add3A_604 = arith.addf %add3A_548, %get3A_603 : vector<16xf32>
        %add3A_605 = arith.constant 17 : i32
        %add3A_606 = arith.addi %add3A_375, %add3A_605 : i32
        %get3A_607 = arith.index_cast %add3A_606 : i32 to index
        %get3A_608 = arith.constant 0 : index
        %get3A_609 = tpu.vector_load %arg6[%get3A_607, %get3A_608] {strides = array<i32>} : memref<3200x32xf32, #tpu.memory_space<vmem>>, vector<1x16xf32>,
        %get3A_610 = vector.shape_cast %get3A_609 : vector<1x16xf32> to vector<16xf32>
        %add3A_611 = arith.addf %add3A_555, %get3A_610 : vector<16xf32>
        %add3A_612 = arith.constant 17 : i32
        %add3A_613 = arith.addi %add3A_375, %add3A_612 : i32
        %get3A_614 = arith.index_cast %add3A_613 : i32 to index
        %get3A_615 = arith.constant 16 : index
        %get3A_616 = tpu.vector_load %arg6[%get3A_614, %get3A_615] {strides = array<i32>} : memref<3200x32xf32, #tpu.memory_space<vmem>>, vector<1x16xf32>,
        %get3A_617 = vector.shape_cast %get3A_616 : vector<1x16xf32> to vector<16xf32>
        %add3A_618 = arith.addf %add3A_562, %get3A_617 : vector<16xf32>
        %add3A_619 = arith.constant 18 : i32
        %add3A_620 = arith.addi %add3A_375, %add3A_619 : i32
        %get3A_621 = arith.index_cast %add3A_620 : i32 to index
        %get3A_622 = arith.constant 0 : index
        %get3A_623 = tpu.vector_load %arg6[%get3A_621, %get3A_622] {strides = array<i32>} : memref<3200x32xf32, #tpu.memory_space<vmem>>, vector<1x16xf32>,
        %get3A_624 = vector.shape_cast %get3A_623 : vector<1x16xf32> to vector<16xf32>
        %add3A_625 = arith.addf %add3A_569, %get3A_624 : vector<16xf32>
        %add3A_626 = arith.constant 18 : i32
        %add3A_627 = arith.addi %add3A_375, %add3A_626 : i32
        %get3A_628 = arith.index_cast %add3A_627 : i32 to index
        %get3A_629 = arith.constant 16 : index
        %get3A_630 = tpu.vector_load %arg6[%get3A_628, %get3A_629] {strides = array<i32>} : memref<3200x32xf32, #tpu.memory_space<vmem>>, vector<1x16xf32>,
        %get3A_631 = vector.shape_cast %get3A_630 : vector<1x16xf32> to vector<16xf32>
        %add3A_632 = arith.addf %add3A_576, %get3A_631 : vector<16xf32>
        %add3A_633 = arith.constant 19 : i32
        %add3A_634 = arith.addi %add3A_375, %add3A_633 : i32
        %get3A_635 = arith.index_cast %add3A_634 : i32 to index
        %get3A_636 = arith.constant 0 : index
        %get3A_637 = tpu.vector_load %arg6[%get3A_635, %get3A_636] {strides = array<i32>} : memref<3200x32xf32, #tpu.memory_space<vmem>>, vector<1x16xf32>,
        %get3A_638 = vector.shape_cast %get3A_637 : vector<1x16xf32> to vector<16xf32>
        %add3A_639 = arith.addf %add3A_583, %get3A_638 : vector<16xf32>
        %add3A_640 = arith.constant 19 : i32
        %add3A_641 = arith.addi %add3A_375, %add3A_640 : i32
        %get3A_642 = arith.index_cast %add3A_641 : i32 to index
        %get3A_643 = arith.constant 16 : index
        %get3A_644 = tpu.vector_load %arg6[%get3A_642, %get3A_643] {strides = array<i32>} : memref<3200x32xf32, #tpu.memory_space<vmem>>, vector<1x16xf32>,
        %get3A_645 = vector.shape_cast %get3A_644 : vector<1x16xf32> to vector<16xf32>
        %add3A_646 = arith.addf %add3A_590, %get3A_645 : vector<16xf32>
        %add3A_647 = arith.constant 20 : i32
        %add3A_648 = arith.addi %add3A_375, %add3A_647 : i32
        %get3A_649 = arith.index_cast %add3A_648 : i32 to index
        %get3A_650 = arith.constant 0 : index
        %get3A_651 = tpu.vector_load %arg6[%get3A_649, %get3A_650] {strides = array<i32>} : memref<3200x32xf32, #tpu.memory_space<vmem>>, vector<1x16xf32>,
        %get3A_652 = vector.shape_cast %get3A_651 : vector<1x16xf32> to vector<16xf32>
        %add3A_653 = arith.addf %add3A_597, %get3A_652 : vector<16xf32>
        %add3A_654 = arith.constant 20 : i32
        %add3A_655 = arith.addi %add3A_375, %add3A_654 : i32
        %get3A_656 = arith.index_cast %add3A_655 : i32 to index
        %get3A_657 = arith.constant 16 : index
        %get3A_658 = tpu.vector_load %arg6[%get3A_656, %get3A_657] {strides = array<i32>} : memref<3200x32xf32, #tpu.memory_space<vmem>>, vector<1x16xf32>,
        %get3A_659 = vector.shape_cast %get3A_658 : vector<1x16xf32> to vector<16xf32>
        %add3A_660 = arith.addf %add3A_604, %get3A_659 : vector<16xf32>
        %add3A_661 = arith.constant 21 : i32
        %add3A_662 = arith.addi %add3A_375, %add3A_661 : i32
        %get3A_663 = arith.index_cast %add3A_662 : i32 to index
        %get3A_664 = arith.constant 0 : index
        %get3A_665 = tpu.vector_load %arg6[%get3A_663, %get3A_664] {strides = array<i32>} : memref<3200x32xf32, #tpu.memory_space<vmem>>, vector<1x16xf32>,
        %get3A_666 = vector.shape_cast %get3A_665 : vector<1x16xf32> to vector<16xf32>
        %add3A_667 = arith.addf %add3A_611, %get3A_666 : vector<16xf32>
        %add3A_668 = arith.constant 21 : i32
        %add3A_669 = arith.addi %add3A_375, %add3A_668 : i32
        %get3A_670 = arith.index_cast %add3A_669 : i32 to index
        %get3A_671 = arith.constant 16 : index
        %get3A_672 = tpu.vector_load %arg6[%get3A_670, %get3A_671] {strides = array<i32>} : memref<3200x32xf32, #tpu.memory_space<vmem>>, vector<1x16xf32>,
        %get3A_673 = vector.shape_cast %get3A_672 : vector<1x16xf32> to vector<16xf32>
        %add3A_674 = arith.addf %add3A_618, %get3A_673 : vector<16xf32>
        %add3A_675 = arith.constant 22 : i32
        %add3A_676 = arith.addi %add3A_375, %add3A_675 : i32
        %get3A_677 = arith.index_cast %add3A_676 : i32 to index
        %get3A_678 = arith.constant 0 : index
        %get3A_679 = tpu.vector_load %arg6[%get3A_677, %get3A_678] {strides = array<i32>} : memref<3200x32xf32, #tpu.memory_space<vmem>>, vector<1x16xf32>,
        %get3A_680 = vector.shape_cast %get3A_679 : vector<1x16xf32> to vector<16xf32>
        %add3A_681 = arith.addf %add3A_625, %get3A_680 : vector<16xf32>
        %add3A_682 = arith.constant 22 : i32
        %add3A_683 = arith.addi %add3A_375, %add3A_682 : i32
        %get3A_684 = arith.index_cast %add3A_683 : i32 to index
        %get3A_685 = arith.constant 16 : index
        %get3A_686 = tpu.vector_load %arg6[%get3A_684, %get3A_685] {strides = array<i32>} : memref<3200x32xf32, #tpu.memory_space<vmem>>, vector<1x16xf32>,
        %get3A_687 = vector.shape_cast %get3A_686 : vector<1x16xf32> to vector<16xf32>
        %add3A_688 = arith.addf %add3A_632, %get3A_687 : vector<16xf32>
        %add3A_689 = arith.constant 23 : i32
        %add3A_690 = arith.addi %add3A_375, %add3A_689 : i32
        %get3A_691 = arith.index_cast %add3A_690 : i32 to index
        %get3A_692 = arith.constant 0 : index
        %get3A_693 = tpu.vector_load %arg6[%get3A_691, %get3A_692] {strides = array<i32>} : memref<3200x32xf32, #tpu.memory_space<vmem>>, vector<1x16xf32>,
        %get3A_694 = vector.shape_cast %get3A_693 : vector<1x16xf32> to vector<16xf32>
        %add3A_695 = arith.addf %add3A_639, %get3A_694 : vector<16xf32>
        %add3A_696 = arith.constant 23 : i32
        %add3A_697 = arith.addi %add3A_375, %add3A_696 : i32
        %get3A_698 = arith.index_cast %add3A_697 : i32 to index
        %get3A_699 = arith.constant 16 : index
        %get3A_700 = tpu.vector_load %arg6[%get3A_698, %get3A_699] {strides = array<i32>} : memref<3200x32xf32, #tpu.memory_space<vmem>>, vector<1x16xf32>,
        %get3A_701 = vector.shape_cast %get3A_700 : vector<1x16xf32> to vector<16xf32>
        %add3A_702 = arith.addf %add3A_646, %get3A_701 : vector<16xf32>
        %add3A_703 = arith.constant 24 : i32
        %add3A_704 = arith.addi %add3A_375, %add3A_703 : i32
        %get3A_705 = arith.index_cast %add3A_704 : i32 to index
        %get3A_706 = arith.constant 0 : index
        %get3A_707 = tpu.vector_load %arg6[%get3A_705, %get3A_706] {strides = array<i32>} : memref<3200x32xf32, #tpu.memory_space<vmem>>, vector<1x16xf32>,
        %get3A_708 = vector.shape_cast %get3A_707 : vector<1x16xf32> to vector<16xf32>
        %add3A_709 = arith.addf %add3A_653, %get3A_708 : vector<16xf32>
        %add3A_710 = arith.constant 24 : i32
        %add3A_711 = arith.addi %add3A_375, %add3A_710 : i32
        %get3A_712 = arith.index_cast %add3A_711 : i32 to index
        %get3A_713 = arith.constant 16 : index
        %get3A_714 = tpu.vector_load %arg6[%get3A_712, %get3A_713] {strides = array<i32>} : memref<3200x32xf32, #tpu.memory_space<vmem>>, vector<1x16xf32>,
        %get3A_715 = vector.shape_cast %get3A_714 : vector<1x16xf32> to vector<16xf32>
        %add3A_716 = arith.addf %add3A_660, %get3A_715 : vector<16xf32>
        %add3A_717 = arith.constant 25 : i32
        %add3A_718 = arith.addi %add3A_375, %add3A_717 : i32
        %get3A_719 = arith.index_cast %add3A_718 : i32 to index
        %get3A_720 = arith.constant 0 : index
        %get3A_721 = tpu.vector_load %arg6[%get3A_719, %get3A_720] {strides = array<i32>} : memref<3200x32xf32, #tpu.memory_space<vmem>>, vector<1x16xf32>,
        %get3A_722 = vector.shape_cast %get3A_721 : vector<1x16xf32> to vector<16xf32>
        %add3A_723 = arith.addf %add3A_667, %get3A_722 : vector<16xf32>
        %add3A_724 = arith.constant 25 : i32
        %add3A_725 = arith.addi %add3A_375, %add3A_724 : i32
        %get3A_726 = arith.index_cast %add3A_725 : i32 to index
        %get3A_727 = arith.constant 16 : index
        %get3A_728 = tpu.vector_load %arg6[%get3A_726, %get3A_727] {strides = array<i32>} : memref<3200x32xf32, #tpu.memory_space<vmem>>, vector<1x16xf32>,
        %get3A_729 = vector.shape_cast %get3A_728 : vector<1x16xf32> to vector<16xf32>
        %add3A_730 = arith.addf %add3A_674, %get3A_729 : vector<16xf32>
        %add3A_731 = arith.constant 26 : i32
        %add3A_732 = arith.addi %add3A_375, %add3A_731 : i32
        %get3A_733 = arith.index_cast %add3A_732 : i32 to index
        %get3A_734 = arith.constant 0 : index
        %get3A_735 = tpu.vector_load %arg6[%get3A_733, %get3A_734] {strides = array<i32>} : memref<3200x32xf32, #tpu.memory_space<vmem>>, vector<1x16xf32>,
        %get3A_736 = vector.shape_cast %get3A_735 : vector<1x16xf32> to vector<16xf32>
        %add3A_737 = arith.addf %add3A_681, %get3A_736 : vector<16xf32>
        %add3A_738 = arith.constant 26 : i32
        %add3A_739 = arith.addi %add3A_375, %add3A_738 : i32
        %get3A_740 = arith.index_cast %add3A_739 : i32 to index
        %get3A_741 = arith.constant 16 : index
        %get3A_742 = tpu.vector_load %arg6[%get3A_740, %get3A_741] {strides = array<i32>} : memref<3200x32xf32, #tpu.memory_space<vmem>>, vector<1x16xf32>,
        %get3A_743 = vector.shape_cast %get3A_742 : vector<1x16xf32> to vector<16xf32>
        %add3A_744 = arith.addf %add3A_688, %get3A_743 : vector<16xf32>
        %add3A_745 = arith.constant 27 : i32
        %add3A_746 = arith.addi %add3A_375, %add3A_745 : i32
        %get3A_747 = arith.index_cast %add3A_746 : i32 to index
        %get3A_748 = arith.constant 0 : index
        %get3A_749 = tpu.vector_load %arg6[%get3A_747, %get3A_748] {strides = array<i32>} : memref<3200x32xf32, #tpu.memory_space<vmem>>, vector<1x16xf32>,
        %get3A_750 = vector.shape_cast %get3A_749 : vector<1x16xf32> to vector<16xf32>
        %add3A_751 = arith.addf %add3A_695, %get3A_750 : vector<16xf32>
        %add3A_752 = arith.constant 27 : i32
        %add3A_753 = arith.addi %add3A_375, %add3A_752 : i32
        %get3A_754 = arith.index_cast %add3A_753 : i32 to index
        %get3A_755 = arith.constant 16 : index
        %get3A_756 = tpu.vector_load %arg6[%get3A_754, %get3A_755] {strides = array<i32>} : memref<3200x32xf32, #tpu.memory_space<vmem>>, vector<1x16xf32>,
        %get3A_757 = vector.shape_cast %get3A_756 : vector<1x16xf32> to vector<16xf32>
        %add3A_758 = arith.addf %add3A_702, %get3A_757 : vector<16xf32>
        %add3A_759 = arith.constant 28 : i32
        %add3A_760 = arith.addi %add3A_375, %add3A_759 : i32
        %get3A_761 = arith.index_cast %add3A_760 : i32 to index
        %get3A_762 = arith.constant 0 : index
        %get3A_763 = tpu.vector_load %arg6[%get3A_761, %get3A_762] {strides = array<i32>} : memref<3200x32xf32, #tpu.memory_space<vmem>>, vector<1x16xf32>,
        %get3A_764 = vector.shape_cast %get3A_763 : vector<1x16xf32> to vector<16xf32>
        %add3A_765 = arith.addf %add3A_709, %get3A_764 : vector<16xf32>
        %add3A_766 = arith.constant 28 : i32
        %add3A_767 = arith.addi %add3A_375, %add3A_766 : i32
        %get3A_768 = arith.index_cast %add3A_767 : i32 to index
        %get3A_769 = arith.constant 16 : index
        %get3A_770 = tpu.vector_load %arg6[%get3A_768, %get3A_769] {strides = array<i32>} : memref<3200x32xf32, #tpu.memory_space<vmem>>, vector<1x16xf32>,
        %get3A_771 = vector.shape_cast %get3A_770 : vector<1x16xf32> to vector<16xf32>
        %add3A_772 = arith.addf %add3A_716, %get3A_771 : vector<16xf32>
        %add3A_773 = arith.constant 29 : i32
        %add3A_774 = arith.addi %add3A_375, %add3A_773 : i32
        %get3A_775 = arith.index_cast %add3A_774 : i32 to index
        %get3A_776 = arith.constant 0 : index
        %get3A_777 = tpu.vector_load %arg6[%get3A_775, %get3A_776] {strides = array<i32>} : memref<3200x32xf32, #tpu.memory_space<vmem>>, vector<1x16xf32>,
        %get3A_778 = vector.shape_cast %get3A_777 : vector<1x16xf32> to vector<16xf32>
        %add3A_779 = arith.addf %add3A_723, %get3A_778 : vector<16xf32>
        %add3A_780 = arith.constant 29 : i32
        %add3A_781 = arith.addi %add3A_375, %add3A_780 : i32
        %get3A_782 = arith.index_cast %add3A_781 : i32 to index
        %get3A_783 = arith.constant 16 : index
        %get3A_784 = tpu.vector_load %arg6[%get3A_782, %get3A_783] {strides = array<i32>} : memref<3200x32xf32, #tpu.memory_space<vmem>>, vector<1x16xf32>,
        %get3A_785 = vector.shape_cast %get3A_784 : vector<1x16xf32> to vector<16xf32>
        %add3A_786 = arith.addf %add3A_730, %get3A_785 : vector<16xf32>
        %add3A_787 = arith.constant 30 : i32
        %add3A_788 = arith.addi %add3A_375, %add3A_787 : i32
        %get3A_789 = arith.index_cast %add3A_788 : i32 to index
        %get3A_790 = arith.constant 0 : index
        %get3A_791 = tpu.vector_load %arg6[%get3A_789, %get3A_790] {strides = array<i32>} : memref<3200x32xf32, #tpu.memory_space<vmem>>, vector<1x16xf32>,
        %get3A_792 = vector.shape_cast %get3A_791 : vector<1x16xf32> to vector<16xf32>
        %add3A_793 = arith.addf %add3A_737, %get3A_792 : vector<16xf32>
        %add3A_794 = arith.constant 30 : i32
        %add3A_795 = arith.addi %add3A_375, %add3A_794 : i32
        %get3A_796 = arith.index_cast %add3A_795 : i32 to index
        %get3A_797 = arith.constant 16 : index
        %get3A_798 = tpu.vector_load %arg6[%get3A_796, %get3A_797] {strides = array<i32>} : memref<3200x32xf32, #tpu.memory_space<vmem>>, vector<1x16xf32>,
        %get3A_799 = vector.shape_cast %get3A_798 : vector<1x16xf32> to vector<16xf32>
        %add3A_800 = arith.addf %add3A_744, %get3A_799 : vector<16xf32>
        %add3A_801 = arith.constant 31 : i32
        %add3A_802 = arith.addi %add3A_375, %add3A_801 : i32
        %get3A_803 = arith.index_cast %add3A_802 : i32 to index
        %get3A_804 = arith.constant 0 : index
        %get3A_805 = tpu.vector_load %arg6[%get3A_803, %get3A_804] {strides = array<i32>} : memref<3200x32xf32, #tpu.memory_space<vmem>>, vector<1x16xf32>,
        %get3A_806 = vector.shape_cast %get3A_805 : vector<1x16xf32> to vector<16xf32>
        %add3A_807 = arith.addf %add3A_751, %get3A_806 : vector<16xf32>
        %add3A_808 = arith.constant 31 : i32
        %add3A_809 = arith.addi %add3A_375, %add3A_808 : i32
        %get3A_810 = arith.index_cast %add3A_809 : i32 to index
        %get3A_811 = arith.constant 16 : index
        %get3A_812 = tpu.vector_load %arg6[%get3A_810, %get3A_811] {strides = array<i32>} : memref<3200x32xf32, #tpu.memory_space<vmem>>, vector<1x16xf32>,
        %get3A_813 = vector.shape_cast %get3A_812 : vector<1x16xf32> to vector<16xf32>
        %add3A_814 = arith.addf %add3A_758, %get3A_813 : vector<16xf32>
        %add3A_815 = arith.constant 32 : i32
        %add3A_816 = arith.addi %add3A_375, %add3A_815 : i32
        %get3A_817 = arith.index_cast %add3A_816 : i32 to index
        %get3A_818 = arith.constant 0 : index
        %get3A_819 = tpu.vector_load %arg6[%get3A_817, %get3A_818] {strides = array<i32>} : memref<3200x32xf32, #tpu.memory_space<vmem>>, vector<1x16xf32>,
        %get3A_820 = vector.shape_cast %get3A_819 : vector<1x16xf32> to vector<16xf32>
        %add3A_821 = arith.addf %add3A_765, %get3A_820 : vector<16xf32>
        %add3A_822 = arith.constant 32 : i32
        %add3A_823 = arith.addi %add3A_375, %add3A_822 : i32
        %get3A_824 = arith.index_cast %add3A_823 : i32 to index
        %get3A_825 = arith.constant 16 : index
        %get3A_826 = tpu.vector_load %arg6[%get3A_824, %get3A_825] {strides = array<i32>} : memref<3200x32xf32, #tpu.memory_space<vmem>>, vector<1x16xf32>,
        %get3A_827 = vector.shape_cast %get3A_826 : vector<1x16xf32> to vector<16xf32>
        %add3A_828 = arith.addf %add3A_772, %get3A_827 : vector<16xf32>
        %add3A_829 = arith.constant 33 : i32
        %add3A_830 = arith.addi %add3A_375, %add3A_829 : i32
        %get3A_831 = arith.index_cast %add3A_830 : i32 to index
        %get3A_832 = arith.constant 0 : index
        %get3A_833 = tpu.vector_load %arg6[%get3A_831, %get3A_832] {strides = array<i32>} : memref<3200x32xf32, #tpu.memory_space<vmem>>, vector<1x16xf32>,
        %get3A_834 = vector.shape_cast %get3A_833 : vector<1x16xf32> to vector<16xf32>
        %add3A_835 = arith.addf %add3A_779, %get3A_834 : vector<16xf32>
        %add3A_836 = arith.constant 33 : i32
        %add3A_837 = arith.addi %add3A_375, %add3A_836 : i32
        %get3A_838 = arith.index_cast %add3A_837 : i32 to index
        %get3A_839 = arith.constant 16 : index
        %get3A_840 = tpu.vector_load %arg6[%get3A_838, %get3A_839] {strides = array<i32>} : memref<3200x32xf32, #tpu.memory_space<vmem>>, vector<1x16xf32>,
        %get3A_841 = vector.shape_cast %get3A_840 : vector<1x16xf32> to vector<16xf32>
        %add3A_842 = arith.addf %add3A_786, %get3A_841 : vector<16xf32>
        %add3A_843 = arith.constant 34 : i32
        %add3A_844 = arith.addi %add3A_375, %add3A_843 : i32
        %get3A_845 = arith.index_cast %add3A_844 : i32 to index
        %get3A_846 = arith.constant 0 : index
        %get3A_847 = tpu.vector_load %arg6[%get3A_845, %get3A_846] {strides = array<i32>} : memref<3200x32xf32, #tpu.memory_space<vmem>>, vector<1x16xf32>,
        %get3A_848 = vector.shape_cast %get3A_847 : vector<1x16xf32> to vector<16xf32>
        %add3A_849 = arith.addf %add3A_793, %get3A_848 : vector<16xf32>
        %add3A_850 = arith.constant 34 : i32
        %add3A_851 = arith.addi %add3A_375, %add3A_850 : i32
        %get3A_852 = arith.index_cast %add3A_851 : i32 to index
        %get3A_853 = arith.constant 16 : index
        %get3A_854 = tpu.vector_load %arg6[%get3A_852, %get3A_853] {strides = array<i32>} : memref<3200x32xf32, #tpu.memory_space<vmem>>, vector<1x16xf32>,
        %get3A_855 = vector.shape_cast %get3A_854 : vector<1x16xf32> to vector<16xf32>
        %add3A_856 = arith.addf %add3A_800, %get3A_855 : vector<16xf32>
        %add3A_857 = arith.constant 35 : i32
        %add3A_858 = arith.addi %add3A_375, %add3A_857 : i32
        %get3A_859 = arith.index_cast %add3A_858 : i32 to index
        %get3A_860 = arith.constant 0 : index
        %get3A_861 = tpu.vector_load %arg6[%get3A_859, %get3A_860] {strides = array<i32>} : memref<3200x32xf32, #tpu.memory_space<vmem>>, vector<1x16xf32>,
        %get3A_862 = vector.shape_cast %get3A_861 : vector<1x16xf32> to vector<16xf32>
        %add3A_863 = arith.addf %add3A_807, %get3A_862 : vector<16xf32>
        %add3A_864 = arith.constant 35 : i32
        %add3A_865 = arith.addi %add3A_375, %add3A_864 : i32
        %get3A_866 = arith.index_cast %add3A_865 : i32 to index
        %get3A_867 = arith.constant 16 : index
        %get3A_868 = tpu.vector_load %arg6[%get3A_866, %get3A_867] {strides = array<i32>} : memref<3200x32xf32, #tpu.memory_space<vmem>>, vector<1x16xf32>,
        %get3A_869 = vector.shape_cast %get3A_868 : vector<1x16xf32> to vector<16xf32>
        %add3A_870 = arith.addf %add3A_814, %get3A_869 : vector<16xf32>
        %add3A_871 = arith.constant 36 : i32
        %add3A_872 = arith.addi %add3A_375, %add3A_871 : i32
        %get3A_873 = arith.index_cast %add3A_872 : i32 to index
        %get3A_874 = arith.constant 0 : index
        %get3A_875 = tpu.vector_load %arg6[%get3A_873, %get3A_874] {strides = array<i32>} : memref<3200x32xf32, #tpu.memory_space<vmem>>, vector<1x16xf32>,
        %get3A_876 = vector.shape_cast %get3A_875 : vector<1x16xf32> to vector<16xf32>
        %add3A_877 = arith.addf %add3A_821, %get3A_876 : vector<16xf32>
        %add3A_878 = arith.constant 36 : i32
        %add3A_879 = arith.addi %add3A_375, %add3A_878 : i32
        %get3A_880 = arith.index_cast %add3A_879 : i32 to index
        %get3A_881 = arith.constant 16 : index
        %get3A_882 = tpu.vector_load %arg6[%get3A_880, %get3A_881] {strides = array<i32>} : memref<3200x32xf32, #tpu.memory_space<vmem>>, vector<1x16xf32>,
        %get3A_883 = vector.shape_cast %get3A_882 : vector<1x16xf32> to vector<16xf32>
        %add3A_884 = arith.addf %add3A_828, %get3A_883 : vector<16xf32>
        %add3A_885 = arith.constant 37 : i32
        %add3A_886 = arith.addi %add3A_375, %add3A_885 : i32
        %get3A_887 = arith.index_cast %add3A_886 : i32 to index
        %get3A_888 = arith.constant 0 : index
        %get3A_889 = tpu.vector_load %arg6[%get3A_887, %get3A_888] {strides = array<i32>} : memref<3200x32xf32, #tpu.memory_space<vmem>>, vector<1x16xf32>,
        %get3A_890 = vector.shape_cast %get3A_889 : vector<1x16xf32> to vector<16xf32>
        %add3A_891 = arith.addf %add3A_835, %get3A_890 : vector<16xf32>
        %add3A_892 = arith.constant 37 : i32
        %add3A_893 = arith.addi %add3A_375, %add3A_892 : i32
        %get3A_894 = arith.index_cast %add3A_893 : i32 to index
        %get3A_895 = arith.constant 16 : index
        %get3A_896 = tpu.vector_load %arg6[%get3A_894, %get3A_895] {strides = array<i32>} : memref<3200x32xf32, #tpu.memory_space<vmem>>, vector<1x16xf32>,
        %get3A_897 = vector.shape_cast %get3A_896 : vector<1x16xf32> to vector<16xf32>
        %add3A_898 = arith.addf %add3A_842, %get3A_897 : vector<16xf32>
        %add3A_899 = arith.constant 38 : i32
        %add3A_900 = arith.addi %add3A_375, %add3A_899 : i32
        %get3A_901 = arith.index_cast %add3A_900 : i32 to index
        %get3A_902 = arith.constant 0 : index
        %get3A_903 = tpu.vector_load %arg6[%get3A_901, %get3A_902] {strides = array<i32>} : memref<3200x32xf32, #tpu.memory_space<vmem>>, vector<1x16xf32>,
        %get3A_904 = vector.shape_cast %get3A_903 : vector<1x16xf32> to vector<16xf32>
        %add3A_905 = arith.addf %add3A_849, %get3A_904 : vector<16xf32>
        %add3A_906 = arith.constant 38 : i32
        %add3A_907 = arith.addi %add3A_375, %add3A_906 : i32
        %get3A_908 = arith.index_cast %add3A_907 : i32 to index
        %get3A_909 = arith.constant 16 : index
        %get3A_910 = tpu.vector_load %arg6[%get3A_908, %get3A_909] {strides = array<i32>} : memref<3200x32xf32, #tpu.memory_space<vmem>>, vector<1x16xf32>,
        %get3A_911 = vector.shape_cast %get3A_910 : vector<1x16xf32> to vector<16xf32>
        %add3A_912 = arith.addf %add3A_856, %get3A_911 : vector<16xf32>
        %add3A_913 = arith.constant 39 : i32
        %add3A_914 = arith.addi %add3A_375, %add3A_913 : i32
        %get3A_915 = arith.index_cast %add3A_914 : i32 to index
        %get3A_916 = arith.constant 0 : index
        %get3A_917 = tpu.vector_load %arg6[%get3A_915, %get3A_916] {strides = array<i32>} : memref<3200x32xf32, #tpu.memory_space<vmem>>, vector<1x16xf32>,
        %get3A_918 = vector.shape_cast %get3A_917 : vector<1x16xf32> to vector<16xf32>
        %add3A_919 = arith.addf %add3A_863, %get3A_918 : vector<16xf32>
        %add3A_920 = arith.constant 39 : i32
        %add3A_921 = arith.addi %add3A_375, %add3A_920 : i32
        %get3A_922 = arith.index_cast %add3A_921 : i32 to index
        %get3A_923 = arith.constant 16 : index
        %get3A_924 = tpu.vector_load %arg6[%get3A_922, %get3A_923] {strides = array<i32>} : memref<3200x32xf32, #tpu.memory_space<vmem>>, vector<1x16xf32>,
        %get3A_925 = vector.shape_cast %get3A_924 : vector<1x16xf32> to vector<16xf32>
        %add3A_926 = arith.addf %add3A_870, %get3A_925 : vector<16xf32>
        %add3A_927 = arith.constant 40 : i32
        %add3A_928 = arith.addi %add3A_375, %add3A_927 : i32
        %get3A_929 = arith.index_cast %add3A_928 : i32 to index
        %get3A_930 = arith.constant 0 : index
        %get3A_931 = tpu.vector_load %arg6[%get3A_929, %get3A_930] {strides = array<i32>} : memref<3200x32xf32, #tpu.memory_space<vmem>>, vector<1x16xf32>,
        %get3A_932 = vector.shape_cast %get3A_931 : vector<1x16xf32> to vector<16xf32>
        %add3A_933 = arith.addf %add3A_877, %get3A_932 : vector<16xf32>
        %add3A_934 = arith.constant 40 : i32
        %add3A_935 = arith.addi %add3A_375, %add3A_934 : i32
        %get3A_936 = arith.index_cast %add3A_935 : i32 to index
        %get3A_937 = arith.constant 16 : index
        %get3A_938 = tpu.vector_load %arg6[%get3A_936, %get3A_937] {strides = array<i32>} : memref<3200x32xf32, #tpu.memory_space<vmem>>, vector<1x16xf32>,
        %get3A_939 = vector.shape_cast %get3A_938 : vector<1x16xf32> to vector<16xf32>
        %add3A_940 = arith.addf %add3A_884, %get3A_939 : vector<16xf32>
        %add3A_941 = arith.constant 41 : i32
        %add3A_942 = arith.addi %add3A_375, %add3A_941 : i32
        %get3A_943 = arith.index_cast %add3A_942 : i32 to index
        %get3A_944 = arith.constant 0 : index
        %get3A_945 = tpu.vector_load %arg6[%get3A_943, %get3A_944] {strides = array<i32>} : memref<3200x32xf32, #tpu.memory_space<vmem>>, vector<1x16xf32>,
        %get3A_946 = vector.shape_cast %get3A_945 : vector<1x16xf32> to vector<16xf32>
        %add3A_947 = arith.addf %add3A_891, %get3A_946 : vector<16xf32>
        %add3A_948 = arith.constant 41 : i32
        %add3A_949 = arith.addi %add3A_375, %add3A_948 : i32
        %get3A_950 = arith.index_cast %add3A_949 : i32 to index
        %get3A_951 = arith.constant 16 : index
        %get3A_952 = tpu.vector_load %arg6[%get3A_950, %get3A_951] {strides = array<i32>} : memref<3200x32xf32, #tpu.memory_space<vmem>>, vector<1x16xf32>,
        %get3A_953 = vector.shape_cast %get3A_952 : vector<1x16xf32> to vector<16xf32>
        %add3A_954 = arith.addf %add3A_898, %get3A_953 : vector<16xf32>
        %add3A_955 = arith.constant 42 : i32
        %add3A_956 = arith.addi %add3A_375, %add3A_955 : i32
        %get3A_957 = arith.index_cast %add3A_956 : i32 to index
        %get3A_958 = arith.constant 0 : index
        %get3A_959 = tpu.vector_load %arg6[%get3A_957, %get3A_958] {strides = array<i32>} : memref<3200x32xf32, #tpu.memory_space<vmem>>, vector<1x16xf32>,
        %get3A_960 = vector.shape_cast %get3A_959 : vector<1x16xf32> to vector<16xf32>
        %add3A_961 = arith.addf %add3A_905, %get3A_960 : vector<16xf32>
        %add3A_962 = arith.constant 42 : i32
        %add3A_963 = arith.addi %add3A_375, %add3A_962 : i32
        %get3A_964 = arith.index_cast %add3A_963 : i32 to index
        %get3A_965 = arith.constant 16 : index
        %get3A_966 = tpu.vector_load %arg6[%get3A_964, %get3A_965] {strides = array<i32>} : memref<3200x32xf32, #tpu.memory_space<vmem>>, vector<1x16xf32>,
        %get3A_967 = vector.shape_cast %get3A_966 : vector<1x16xf32> to vector<16xf32>
        %add3A_968 = arith.addf %add3A_912, %get3A_967 : vector<16xf32>
        %add3A_969 = arith.constant 43 : i32
        %add3A_970 = arith.addi %add3A_375, %add3A_969 : i32
        %get3A_971 = arith.index_cast %add3A_970 : i32 to index
        %get3A_972 = arith.constant 0 : index
        %get3A_973 = tpu.vector_load %arg6[%get3A_971, %get3A_972] {strides = array<i32>} : memref<3200x32xf32, #tpu.memory_space<vmem>>, vector<1x16xf32>,
        %get3A_974 = vector.shape_cast %get3A_973 : vector<1x16xf32> to vector<16xf32>
        %add3A_975 = arith.addf %add3A_919, %get3A_974 : vector<16xf32>
        %add3A_976 = arith.constant 43 : i32
        %add3A_977 = arith.addi %add3A_375, %add3A_976 : i32
        %get3A_978 = arith.index_cast %add3A_977 : i32 to index
        %get3A_979 = arith.constant 16 : index
        %get3A_980 = tpu.vector_load %arg6[%get3A_978, %get3A_979] {strides = array<i32>} : memref<3200x32xf32, #tpu.memory_space<vmem>>, vector<1x16xf32>,
        %get3A_981 = vector.shape_cast %get3A_980 : vector<1x16xf32> to vector<16xf32>
        %add3A_982 = arith.addf %add3A_926, %get3A_981 : vector<16xf32>
        %add3A_983 = arith.constant 44 : i32
        %add3A_984 = arith.addi %add3A_375, %add3A_983 : i32
        %get3A_985 = arith.index_cast %add3A_984 : i32 to index
        %get3A_986 = arith.constant 0 : index
        %get3A_987 = tpu.vector_load %arg6[%get3A_985, %get3A_986] {strides = array<i32>} : memref<3200x32xf32, #tpu.memory_space<vmem>>, vector<1x16xf32>,
        %get3A_988 = vector.shape_cast %get3A_987 : vector<1x16xf32> to vector<16xf32>
        %add3A_989 = arith.addf %add3A_933, %get3A_988 : vector<16xf32>
        %add3A_990 = arith.constant 44 : i32
        %add3A_991 = arith.addi %add3A_375, %add3A_990 : i32
        %get3A_992 = arith.index_cast %add3A_991 : i32 to index
        %get3A_993 = arith.constant 16 : index
        %get3A_994 = tpu.vector_load %arg6[%get3A_992, %get3A_993] {strides = array<i32>} : memref<3200x32xf32, #tpu.memory_space<vmem>>, vector<1x16xf32>,
        %get3A_995 = vector.shape_cast %get3A_994 : vector<1x16xf32> to vector<16xf32>
        %add3A_996 = arith.addf %add3A_940, %get3A_995 : vector<16xf32>
        %add3A_997 = arith.constant 45 : i32
        %add3A_998 = arith.addi %add3A_375, %add3A_997 : i32
        %get3A_999 = arith.index_cast %add3A_998 : i32 to index
        %get3A_1000 = arith.constant 0 : index
        %get3A_1001 = tpu.vector_load %arg6[%get3A_999, %get3A_1000] {strides = array<i32>} : memref<3200x32xf32, #tpu.memory_space<vmem>>, vector<1x16xf32>,
        %get3A_1002 = vector.shape_cast %get3A_1001 : vector<1x16xf32> to vector<16xf32>
        %add3A_1003 = arith.addf %add3A_947, %get3A_1002 : vector<16xf32>
        %add3A_1004 = arith.constant 45 : i32
        %add3A_1005 = arith.addi %add3A_375, %add3A_1004 : i32
        %get3A_1006 = arith.index_cast %add3A_1005 : i32 to index
        %get3A_1007 = arith.constant 16 : index
        %get3A_1008 = tpu.vector_load %arg6[%get3A_1006, %get3A_1007] {strides = array<i32>} : memref<3200x32xf32, #tpu.memory_space<vmem>>, vector<1x16xf32>,
        %get3A_1009 = vector.shape_cast %get3A_1008 : vector<1x16xf32> to vector<16xf32>
        %add3A_1010 = arith.addf %add3A_954, %get3A_1009 : vector<16xf32>
        %add3A_1011 = arith.constant 46 : i32
        %add3A_1012 = arith.addi %add3A_375, %add3A_1011 : i32
        %get3A_1013 = arith.index_cast %add3A_1012 : i32 to index
        %get3A_1014 = arith.constant 0 : index
        %get3A_1015 = tpu.vector_load %arg6[%get3A_1013, %get3A_1014] {strides = array<i32>} : memref<3200x32xf32, #tpu.memory_space<vmem>>, vector<1x16xf32>,
        %get3A_1016 = vector.shape_cast %get3A_1015 : vector<1x16xf32> to vector<16xf32>
        %add3A_1017 = arith.addf %add3A_961, %get3A_1016 : vector<16xf32>
        %add3A_1018 = arith.constant 46 : i32
        %add3A_1019 = arith.addi %add3A_375, %add3A_1018 : i32
        %get3A_1020 = arith.index_cast %add3A_1019 : i32 to index
        %get3A_1021 = arith.constant 16 : index
        %get3A_1022 = tpu.vector_load %arg6[%get3A_1020, %get3A_1021] {strides = array<i32>} : memref<3200x32xf32, #tpu.memory_space<vmem>>, vector<1x16xf32>,
        %get3A_1023 = vector.shape_cast %get3A_1022 : vector<1x16xf32> to vector<16xf32>
        %add3A_1024 = arith.addf %add3A_968, %get3A_1023 : vector<16xf32>
        %add3A_1025 = arith.constant 47 : i32
        %add3A_1026 = arith.addi %add3A_375, %add3A_1025 : i32
        %get3A_1027 = arith.index_cast %add3A_1026 : i32 to index
        %get3A_1028 = arith.constant 0 : index
        %get3A_1029 = tpu.vector_load %arg6[%get3A_1027, %get3A_1028] {strides = array<i32>} : memref<3200x32xf32, #tpu.memory_space<vmem>>, vector<1x16xf32>,
        %get3A_1030 = vector.shape_cast %get3A_1029 : vector<1x16xf32> to vector<16xf32>
        %add3A_1031 = arith.addf %add3A_975, %get3A_1030 : vector<16xf32>
        %add3A_1032 = arith.constant 47 : i32
        %add3A_1033 = arith.addi %add3A_375, %add3A_1032 : i32
        %get3A_1034 = arith.index_cast %add3A_1033 : i32 to index
        %get3A_1035 = arith.constant 16 : index
        %get3A_1036 = tpu.vector_load %arg6[%get3A_1034, %get3A_1035] {strides = array<i32>} : memref<3200x32xf32, #tpu.memory_space<vmem>>, vector<1x16xf32>,
        %get3A_1037 = vector.shape_cast %get3A_1036 : vector<1x16xf32> to vector<16xf32>
        %add3A_1038 = arith.addf %add3A_982, %get3A_1037 : vector<16xf32>
        %add3A_1039 = arith.constant 48 : i32
        %add3A_1040 = arith.addi %add3A_375, %add3A_1039 : i32
        %get3A_1041 = arith.index_cast %add3A_1040 : i32 to index
        %get3A_1042 = arith.constant 0 : index
        %get3A_1043 = tpu.vector_load %arg6[%get3A_1041, %get3A_1042] {strides = array<i32>} : memref<3200x32xf32, #tpu.memory_space<vmem>>, vector<1x16xf32>,
        %get3A_1044 = vector.shape_cast %get3A_1043 : vector<1x16xf32> to vector<16xf32>
        %add3A_1045 = arith.addf %add3A_989, %get3A_1044 : vector<16xf32>
        %add3A_1046 = arith.constant 48 : i32
        %add3A_1047 = arith.addi %add3A_375, %add3A_1046 : i32
        %get3A_1048 = arith.index_cast %add3A_1047 : i32 to index
        %get3A_1049 = arith.constant 16 : index
        %get3A_1050 = tpu.vector_load %arg6[%get3A_1048, %get3A_1049] {strides = array<i32>} : memref<3200x32xf32, #tpu.memory_space<vmem>>, vector<1x16xf32>,
        %get3A_1051 = vector.shape_cast %get3A_1050 : vector<1x16xf32> to vector<16xf32>
        %add3A_1052 = arith.addf %add3A_996, %get3A_1051 : vector<16xf32>
        %add3A_1053 = arith.constant 49 : i32
        %add3A_1054 = arith.addi %add3A_375, %add3A_1053 : i32
        %get3A_1055 = arith.index_cast %add3A_1054 : i32 to index
        %get3A_1056 = arith.constant 0 : index
        %get3A_1057 = tpu.vector_load %arg6[%get3A_1055, %get3A_1056] {strides = array<i32>} : memref<3200x32xf32, #tpu.memory_space<vmem>>, vector<1x16xf32>,
        %get3A_1058 = vector.shape_cast %get3A_1057 : vector<1x16xf32> to vector<16xf32>
        %add3A_1059 = arith.addf %add3A_1003, %get3A_1058 : vector<16xf32>
        %add3A_1060 = arith.constant 49 : i32
        %add3A_1061 = arith.addi %add3A_375, %add3A_1060 : i32
        %get3A_1062 = arith.index_cast %add3A_1061 : i32 to index
        %get3A_1063 = arith.constant 16 : index
        %get3A_1064 = tpu.vector_load %arg6[%get3A_1062, %get3A_1063] {strides = array<i32>} : memref<3200x32xf32, #tpu.memory_space<vmem>>, vector<1x16xf32>,
        %get3A_1065 = vector.shape_cast %get3A_1064 : vector<1x16xf32> to vector<16xf32>
        %add3A_1066 = arith.addf %add3A_1010, %get3A_1065 : vector<16xf32>
        %add3A_1067 = arith.addf %add3A_1045, %add3A_1059 : vector<16xf32>
        %add3A_1068 = arith.addf %add3A_1017, %add3A_1031 : vector<16xf32>
        %add3A_1069 = arith.addf %add3A_1067, %add3A_1068 : vector<16xf32>
        %swap3A = arith.index_cast %scan3A_372 : i32 to index
        %swap3A_1070 = arith.constant 0 : index
        %swap3A_1071 = tpu.vector_load %arg7[%swap3A, %swap3A_1070] {strides = array<i32>} : memref<32x32xf32, #tpu.memory_space<vmem>>, vector<1x16xf32>,
        %swap3A_1072 = vector.shape_cast %swap3A_1071 : vector<1x16xf32> to vector<16xf32>
        %swap3A_1073 = vector.shape_cast %add3A_1069 : vector<16xf32> to vector<1x16xf32>
        tpu.vector_store %arg7[%swap3A, %swap3A_1070], %swap3A_1073 {strides = array<i32>} : memref<32x32xf32, #tpu.memory_space<vmem>>, vector<1x16xf32>,
        %add3A_1074 = arith.addf %add3A_1052, %add3A_1066 : vector<16xf32>
        %add3A_1075 = arith.addf %add3A_1024, %add3A_1038 : vector<16xf32>
        %add3A_1076 = arith.addf %add3A_1074, %add3A_1075 : vector<16xf32>
        %swap3A_1077 = arith.index_cast %scan3A_372 : i32 to index
        %swap3A_1078 = arith.constant 16 : index
        %swap3A_1079 = tpu.vector_load %arg7[%swap3A_1077, %swap3A_1078] {strides = array<i32>} : memref<32x32xf32, #tpu.memory_space<vmem>>, vector<1x16xf32>,
        %swap3A_1080 = vector.shape_cast %swap3A_1079 : vector<1x16xf32> to vector<16xf32>
        %swap3A_1081 = vector.shape_cast %add3A_1076 : vector<16xf32> to vector<1x16xf32>
        tpu.vector_store %arg7[%swap3A_1077, %swap3A_1078], %swap3A_1081 {strides = array<i32>} : memref<32x32xf32, #tpu.memory_space<vmem>>, vector<1x16xf32>,
      }
      %scan3A_362 = arith.constant 32 : i32
      %mul3A_363 = arith.constant 512 : i32
      %mul3A_364 = arith.muli %add3A, %mul3A_363 : i32
      %mul3A_365 = arith.constant 32 : i32
      %mul3A_366 = arith.muli %scan3A_152, %mul3A_365 : i32
      %add3A_367 = arith.addi %mul3A_364, %mul3A_366 : i32
      %dma_start3A_368 = arith.constant 0 : i32
      %dma_start3A_369 = tpu.memref_slice %arg4[%add3A_367, %dma_start3A_368] : memref<16384x32xf32, #tpu.memory_space<hbm>> -> memref<32x32xf32, #tpu.memory_space<hbm>>
      %dma_start3A_370 = arith.constant 0 : i32
      %dma_start3A_371 = tpu.memref_slice %arg4[%add3A_367, %dma_start3A_370] : memref<16384x32xf32, #tpu.memory_space<hbm>> -> memref<32x32xf32, #tpu.memory_space<hbm>>
      tpu.enqueue_dma source(%arg7 : memref<32x32xf32, #tpu.memory_space<vmem>>) target(%dma_start3A_371 : memref<32x32xf32, #tpu.memory_space<hbm>>) target_semaphore(%arg10 : memref<!tpu.dma_semaphore, #tpu.memory_space<semaphore_mem>>)
    }
    %scan3A_143 = arith.constant 16 : i32
    %mul3A_144 = arith.constant 512 : i32
    %mul3A_145 = arith.muli %add3A, %mul3A_144 : i32
    %add3A_146 = arith.constant 480 : i32
    %add3A_147 = arith.addi %mul3A_145, %add3A_146 : i32
    %dma_wait3A_148 = arith.constant 0 : i32
    %dma_wait3A_149 = tpu.memref_slice %arg4[%add3A_147, %dma_wait3A_148] : memref<16384x32xf32, #tpu.memory_space<hbm>> -> memref<32x32xf32, #tpu.memory_space<hbm>>
    %dma_wait3A_150 = arith.constant 0 : i32
    %dma_wait3A_151 = tpu.memref_slice %arg4[%add3A_147, %dma_wait3A_150] : memref<16384x32xf32, #tpu.memory_space<hbm>> -> memref<32x32xf32, #tpu.memory_space<hbm>>
    tpu.wait_dma2 semaphore(%arg10 : memref<!tpu.dma_semaphore, #tpu.memory_space<semaphore_mem>>) src(%arg7 : memref<32x32xf32, #tpu.memory_space<vmem>>) dst(%dma_wait3A_151 : memref<32x32xf32, #tpu.memory_space<hbm>>)
    return
  }
}

</mosaic_0001>

<sc_bundles>
// kernel: kernel.3.cloned.1.call-start
scs
__scs_entry_jumppad:
0x0: {  	(pc) =	sbr.rel $0x88, $3  }
0x1: {  	(tag) =	ssettag $0x0;
	lr =	simm.s32 $0x1  }
0x2: {  	[smem:$0x3F9F] =	sst lr;
	_ =	strace $0xD0000000  }
0x3: {  	_ = 	snop  }
0x4: {  	_ = 	snop  }
0x5: {  	_ = 	snop  }
0x6: {  	_ = 	snop  }
0x7: {  	_ = 	snop  }
__scs_overlays_trampoline_lowered:
0x8: {  	[smem:$0x3FAE] =	sst s0  }
0x9: {  	[smem:$0x3FAF] =	sst s1  }
0xa: {  	[smem:$0x3FB0] =	sst s2  }
0xb: {  	[smem:$0x3FB1] =	sst s3  }
0xc: {  	[smem:$0x3FB2] =	sst s4  }
0xd: {  	[smem:$0x3FB3] =	sst s5  }
0xe: {  	[smem:$0x3FB4] =	sst s6  }
0xf: {  	[smem:$0x3FB5] =	sst s7  }
0x10: {  	[smem:$0x3FB6] =	sst s8  }
0x11: {  	[smem:$0x3FB7] =	sst s9;
	s0 =	simm.s32 @!p0 $0x0  }
0x12: {  	s1 =	sld [smem:$0x3F9D];
	s0 =	simm.s32 @p0 $0x1  }
0x13: {  	[smem:$0x3FB8] =	sst s0;
	s0 =	simm.s32 @!p1 $0x0  }
0x14: {  	s2 =	sld [smem:$0x3F9C];
	s0 =	simm.s32 @p1 $0x1  }
0x15: {  	[smem:$0x3FB9] =	sst s0;
	s0 =	simm.s32 @!p2 $0x0  }
0x16: {  	s3 =	sld [smem:$0x3FDB];
	s0 =	simm.s32 @p2 $0x1  }
0x17: {  	s4 =	simm.s32 $0x1BF5;
	[smem:$0x3FBB] =	sst s0  }
0x18: {  	s0 =	sld [smem:$0x3F9E];
	_ =	swait.ge [sflag:s4], $0x0  }
0x19: {  	s7 =	sld [smem:$0x3F9F]  }
0x1a: {  	s8 =	sadd.s32 $0xFFFFE003, lr  }
0x1b: {  	s9 =	sadd.s32 $0xFFFFFEF7, lr;
	s5 =	simm.s32 $0xFFFFFFFF;
	p2 =	slt.u32 s8, $0xFFFFF086  }
0x1c: {  	p1 =	slt.u32 s9, $0xF7A;
	s5 =	simm.s32 @!p2 $0x0  }
0x1d: {  	s5 =	simm.s32 @p1 $0x1;
	p0 =	seq.s32 s7, s2  }
0x1e: {  	s7 =	smul.u32 @!p0 $0xF7A, s2;
	p2 =	seq.s32 @!p0 s5, $0x0  }
0x1f: {  	s9 =	smul.u32 $0xF7A, s1;
	s8 =	simm.s32 @!p0 $0x1BF5;
	p2 =	por !p2, p0  }
0x20: {  	[sflag:s8] =	ssyncset.s32 @!p0 $0xFFFFF086;
	s6 =	sadd.s32 @!p0 s3, s7;
	s7 =	simm.s32 @!p0 $0x108  }
0x21: {  	s3 =	sadd.s32 s3, s9;
	s6 =	sadd.s32 @!p0 $0x88, s6;
	s7 =	simm.s32 @p2 $0x1082  }
0x22: {  	[simem:s7], [sflag:s8] =	dma.local @!p0 [hbm:s6], $0xF7A  }
0x23: {  	s9 =	sor.u32 $0xD0000000, s2;
	s6 =	simm.s32 $0x108;
	_ =	swait.ge @!p0 [sflag:s8], $0x0  }
0x24: {  	s3 =	sadd.s32 $0x88, s3;
	s6 =	simm.s32 @!p1 $0x1082;
	[sflag:s4] =	ssyncset.s32 $0xFFFFF086  }
0x25: {  	[simem:s6], [sflag:s4] =	dma.local [hbm:s3], $0xF7A  }
0x26: {  	[smem:$0x3F9F] =	sst s1;
	(tag) =	ssettag s2;
	_ =	strace s9  }
0x27: {  	s1 =	sld [smem:$0x3FAF]  }
0x28: {  	s2 =	sld [smem:$0x3FB0]  }
0x29: {  	s4 =	sld [smem:$0x3FB2]  }
0x2a: {  	p0 =	seq.s32 s5, $0x0;
	s5 =	sld [smem:$0x3FB3]  }
0x2b: {  	s6 =	sld [smem:$0x3FB4]  }
0x2c: {  	s7 =	sld [smem:$0x3FB5]  }
0x2d: {  	s3 =	simm.s32 $0x108;
	s8 =	sld [smem:$0x3FB6]  }
0x2e: {  	s3 =	simm.s32 @!p0 $0x1082;
	s9 =	sld [smem:$0x3FB7]  }
0x2f: {  	lr =	sadd.s32 s0, s3;
	s0 =	sld [smem:$0x3FAE]  }
0x30: {  	s3 =	sld [smem:$0x3FB1]  }
0x31: {  	[smem:$0x3FBA] =	sst s10  }
0x32: {  	s10 =	sld [smem:$0x3FB8];
	_ =	sdelay $0x3  }
0x33: {  	p0 =	seq.s32 s10, $0x1;
	s10 =	sld [smem:$0x3FBA];
	_ =	sdelay $0x3  }
0x34: {  	[smem:$0x3FBA] =	sst s10  }
0x35: {  	s10 =	sld [smem:$0x3FB9];
	_ =	sdelay $0x3  }
0x36: {  	p1 =	seq.s32 s10, $0x1;
	s10 =	sld [smem:$0x3FBA];
	_ =	sdelay $0x3  }
0x37: {  	[smem:$0x3FBA] =	sst s10  }
0x38: {  	s10 =	sld [smem:$0x3FBB]  }
0x39: {  	_ = 	snop;
	(pc) =	sbr.ind lr, $3  }
0x3a: {  	_ = 	snop  }
0x3b: {  	_ = 	snop  }
0x3c: {  	p2 =	seq.s32 s10, $0x1;
	s10 =	sld [smem:$0x3FBA]  }
0x3d: {  	_ =	shalt  }
0x3e: {  	_ =	shalt  }
0x3f: {  	_ =	shalt  }
0x40: {  	_ =	shalt  }
0x41: {  	_ =	shalt  }
0x42: {  	_ =	shalt  }
0x43: {  	_ =	shalt  }
0x44: {  	_ =	shalt  }
0x45: {  	_ =	shalt  }
0x46: {  	_ =	shalt  }
0x47: {  	_ =	shalt  }
0x48: {  	_ =	shalt  }
0x49: {  	_ =	shalt  }
0x4a: {  	_ =	shalt  }
0x4b: {  	_ =	shalt  }
0x4c: {  	_ =	shalt  }
0x4d: {  	_ =	shalt  }
0x4e: {  	_ =	shalt  }
0x4f: {  	_ =	shalt  }
0x50: {  	_ =	shalt  }
0x51: {  	_ =	shalt  }
0x52: {  	_ =	shalt  }
0x53: {  	_ =	shalt  }
0x54: {  	_ =	shalt  }
0x55: {  	_ =	shalt  }
0x56: {  	_ =	shalt  }
0x57: {  	_ =	shalt  }
0x58: {  	_ =	shalt  }
0x59: {  	_ =	shalt  }
0x5a: {  	_ =	shalt  }
0x5b: {  	_ =	shalt  }
0x5c: {  	_ =	shalt  }
0x5d: {  	_ =	shalt  }
0x5e: {  	_ =	shalt  }
0x5f: {  	_ =	shalt  }
0x60: {  	_ =	shalt  }
0x61: {  	_ =	shalt  }
0x62: {  	_ =	shalt  }
0x63: {  	_ =	shalt  }
0x64: {  	_ =	shalt  }
0x65: {  	_ =	shalt  }
0x66: {  	_ =	shalt  }
0x67: {  	_ =	shalt  }
0x68: {  	_ =	shalt  }
0x69: {  	_ =	shalt  }
0x6a: {  	_ =	shalt  }
0x6b: {  	_ =	shalt  }
0x6c: {  	_ =	shalt  }
0x6d: {  	_ =	shalt  }
0x6e: {  	_ =	shalt  }
0x6f: {  	_ =	shalt  }
0x70: {  	_ =	shalt  }
0x71: {  	_ =	shalt  }
0x72: {  	_ =	shalt  }
0x73: {  	_ =	shalt  }
0x74: {  	_ =	shalt  }
0x75: {  	_ =	shalt  }
0x76: {  	_ =	shalt  }
0x77: {  	_ =	shalt  }
0x78: {  	_ =	shalt  }
0x79: {  	_ =	shalt  }
0x7a: {  	_ =	shalt  }
0x7b: {  	_ =	shalt  }
0x7c: {  	_ =	shalt  }
0x7d: {  	_ =	shalt  }
0x7e: {  	_ =	shalt  }
0x7f: {  	_ =	shalt  }
0x80: {  	_ =	shalt  }
0x81: {  	_ =	shalt  }
0x82: {  	_ =	shalt  }
0x83: {  	_ =	shalt  }
0x84: {  	_ =	shalt  }
0x85: {  	_ =	shalt  }
0x86: {  	_ =	shalt  }
0x87: {  	_ =	shalt  }
.Lfunc_end0:
.L_simem_size_0:
called_computation_lowered:
.L_overlay_start_0:
0x88: {  	s2 =	sld [smem:$0x3FD9]  }
0x89: {  	s3 =	sld [smem:$0x3FFE];
	_ =	sdelay $0x1  }
0x8a: {  	s1 =	srdreg.scid  }
0x8b: {  	s0 =	sand.u32 $0x1, s1  }
0x8c: {  	s17 =	sshll.u32 s0, $0xA;
	s2 =	sadd.s32 s3, s2  }
0x8d: {  	s2 =	sadd.s32 s2, s17  }
0x8e: {  	[smem:$0x3FC6] =	sst s2  }
0x8f: {  	_ = 	snop  }
0x90: {  	s2 =	sld [smem:$0x3FD0];
	(tm) =	ssettm $0x1  }
0x91: {  	s18 =	sld [smem:$0x3FFB];
	_ =	sdelay $0x3  }
0x92: {  	_ =	strace s18  }
0x93: {  	s3 =	sld [smem:$0x3FFC];
	_ =	sdelay $0x3  }
0x94: {  	_ =	strace s3  }
0x95: {  	s3 =	sld [smem:$0x3FFD];
	_ =	sdelay $0x3  }
0x96: {  	_ =	strace s3  }
0x97: {  	_ =	strace $0x8FFFFFFF  }
0x98: {  	s19 =	sld [smem:$0x3FDB];
	_ =	sdelay $0x1  }
0x99: {  	s4 =	simm.s32 $_scs_section_size  }
0x9a: {  	s5 =	simm.s32 $_size__tile_overlayer_lowered;
	s6 =	simm.s32 $_tile_overlayer_lowered  }
0x9b: {  	s22 =	simm.s32 $0x1BFF;
	s21 =	sshll.u32 s6, $0x1;
	s3 =	sadd.s32 s4, s19  }
0x9c: {  	s7 =	simm.s32 $0x0;
	s20 =	sshll.u32 s5, $0x1;
	s5 =	sadd.s32 s21, s3  }
0x9d: {  	[timem:s7], [sflag:s22] =	dma.local [hbm:s5], s20  }
0x9e: {  	_ =	swait.ge [sflag:s22], s20  }
0x9f: {  	s4 =	ssub.s32 $0x0, s20;
	[sflag:s22] =	ssyncset.done $0x0  }
0xa0: {  	[sflag:s22] =	ssyncadd.s32 s4;
	_ =	sdelay $0x1  }
0xa1: {  	s23 =	simm.s32 $0x1B8B  }
0xa2: {  	_ =	swait.ge [sflag:s23], $0x1  }
0xa3: {  	[sflag:s23] =	ssyncset.done $0x0  }
0xa4: {  	s25 =	simm.s32 $0x1B8E;
	s24 =	sld [smem:$0x3FFE];
	[sflag:s23] =	ssyncadd.s32 $0xFFFFFFFF  }
0xa5: {  	s26 =	simm.s32 $execute0_lowered;
	[smem:$0x3FD2] =	sst s25  }
0xa6: {  	s5 =	sshll.u32 s26, $0x1;
	_ =	strace $0x80000046;
	[dreg:$0x1] =	wrdreg $0xFFFFFFFF  }
0xa7: {  	s28 =	simm.s32 $_size_execute0_lowered;
	s3 =	sadd.s32 s3, s5;
	[dreg:$0x0] =	wrdreg $0x0  }
0xa8: {  	s5 =	sshll.u32 s28, $0x1;
	[dreg:$0x2] =	wrdreg s3  }
0xa9: {  	[dreg:$0x3] =	wrdreg s5  }
0xaa: {  	[dreg:$0x4] =	wrdreg $0xC0  }
0xab: {  	_ =	task [dreg:s7], $0x5FFFF  }
0xac: {  	[dreg:$0x1] =	wrdreg $0xFFFFFFFF  }
0xad: {  	[dreg:$0x0] =	wrdreg $0x60  }
0xae: {  	[dreg:$0x2] =	wrdreg s24  }
0xaf: {  	[dreg:$0x3] =	wrdreg s2  }
0xb0: {  	[dreg:$0x4] =	wrdreg $0x9  }
0xb1: {  	_ =	task.clear_ibuf [dreg:s7], $0x5FFFF;
	_ =	strace $0x90000046  }
0xb2: {  	s29 =	simm.s32 $0x9;
	_ =	strace $0x80000048  }
0xb3: {  	_ =	swait.ge [sflag:s29], $0x1  }
0xb4: {  	[sflag:s29] =	ssyncadd.s32 $0xFFFFFFFF  }
0xb5: {  	_ =	strace $0x90000048  }
0xb6: {  	_ =	sfence  }
0xb7: {  	s30 =	sld [smem:$0x0];
	_ =	sdelay $0x2  }
0xb8: {  	s31 =	sshll.u32 s1, $0xD;
	s1 =	sshrl.u32 s1, $0x2  }
0xb9: {  	s3 =	sand.u32 $0x4000, s31;
	s1 =	sadd.s32 s1, s30  }
0xba: {  	s0 =	sor.u32 s3, s0;
	s1 =	sshll.u32 s1, $0x11  }
0xbb: {  	s0 =	sor.u32 s1, s0  }
0xbc: {  	s0 =	sadd.s32 $0x8F2B, s0  }
0xbd: {  	[sflag:s0] =	ssyncadd.remote.s32 $0x1  }
0xbe: {  	_ =	sfence.sel $0xFFFF  }
0xbf: {  	[dreg:$0x0] =	wrdreg $0xFFFFFFFF;
	(pc) =	sbr.abs _section_cstart, $3  }
0xc0: {  	[dreg:$0x1] =	wrdreg $0xFFFFFFFF  }
0xc1: {  	_ =	task.clear_ibuf [dreg:s7], $0x2FFFF;
	_ =	strace $0x9FFFFFFF  }
0xc2: {  	(tm) =	ssettm $0x7FFFFFFF  }
0xc3: {  	_ =	shalt  }
tec
execute0_lowered:
.L_overlay_start_1:
0x0: {  	(tag) =	ssettag $0x1  }
0x1: {  	s0 =	rddreg [dreg:$0x0]  }
0x2: {  	s1 =	srdreg.scid;
	s2 =	stileid.u32  }
0x3: {  	s8 =	rddreg [dreg:$0x1];
	s10 =	simm.s32 $0x1;
	s11 =	simm.s32 $0x80  }
0x4: {  	s29 =	simm.s32 $0x480;
	s30 =	simm.s32 $0x9C80;
	s31 =	simm.s32 $0x500  }
0x5: {  	s12 =	simm.s32 $0xBC80;
	s13 =	simm.s32 $0x40;
	s14 =	simm.s32 $0x600  }
0x6: {  	s15 =	simm.s32 $0xCC80;
	s16 =	simm.s32 $0x640;
	s17 =	simm.s32 $0x2  }
0x7: {  	s18 =	simm.s32 $0x19C80;
	s19 =	simm.s32 $0x3;
	s20 =	simm.s32 $0x0  }
0x8: {  	s1 =	sand.u32 $0x1, s1;
	s3 =	sshll.u32 s2, $0x1;
	s2 =	simm.s32 $0x0  }
0x9: {  	s4 =	sadd.s32 $0xF42A00, s0;
	s6 =	sor.u32 s1, s3;
	[smem:$0x7FF] =	sst s2  }
0xa: {  	s1 =	ssub.s32 $0x2, s1;
	s3 =	sadd.s32 $0x600, s0;
	s5 =	smul.u32 $0xC80, s6  }
0xb: {  	_ =	strace $0x80000047;
	s7 =	smul.u32 $0x6400, s6;
	s25 =	sshrl.u32 s1, $0x1  }
0xc: {  	s28 =	sshll.u32 s6, $0x9;
	s9 =	sshll.u32 s6, $0xB;
	s0 =	ssub.s32 s1, s25  }
0xd: {  	s8 =	sadd.s32 s8, s9;
	s5 =	sadd.s32 s3, s5;
	s26 =	sshrl.u32 s7, $0x3  }
0xe: {  	s7 =	sor.u32 $0x40, s28;
	s9 =	smax.u32 s0, $0x1;
	s1 =	sadd.s32 s3, s26  }
0xf: {  	s0 =	simm.s32 $0x580;
	s6 =	sadd.s32 $0xC8, s1;
	s1 =	simm.s32 $0xAC80  }
.LBB2_1:
0x10: {  	[tilespmem:s2], [sflag:$0x1] =	stream.linear.gather [hbm4b:s5+s2], $0x640, $0x38;
	[tilespmem:$0x1A080] =	vst v63  }
0x11: {  	_ =	swait.ge [sflag:s10], $0x640  }
0x12: {  	[sflag:s10] =	ssyncset.done $0x0  }
0x13: {  	s21 =	simm.s32 $0xC80;
	[sflag:s10] =	ssyncadd.s32 $0xFFFFF9C0  }
0x14: {  	[tilespmem:s21], [sflag:$0x2] =	stream.indirect.gather [hbm4b:s4+s11], $0x20, s2, s11, $0xb8;
	[tilespmem:$0x1A080] =	vst v63  }
0x15: {  	s26 =	simm.s32 $0x1C80  }
0x16: {  	[tilespmem:s26], [sflag:$0x2] =	stream.indirect.gather [hbm4b:s4+s11], $0x20, s11, s11, $0xb8;
	[tilespmem:$0x1A080] =	vst v63  }
0x17: {  	s28 =	simm.s32 $0x100;
	s22 =	simm.s32 $0x2C80  }
0x18: {  	[tilespmem:s22], [sflag:$0x2] =	stream.indirect.gather [hbm4b:s4+s11], $0x20, s28, s11, $0xb8;
	[tilespmem:$0x1A080] =	vst v63  }
0x19: {  	s23 =	simm.s32 $0x3C80;
	s22 =	simm.s32 $0x180  }
0x1a: {  	[tilespmem:s23], [sflag:$0x2] =	stream.indirect.gather [hbm4b:s4+s11], $0x20, s22, s11, $0xb8;
	[tilespmem:$0x1A080] =	vst v63  }
0x1b: {  	s24 =	simm.s32 $0x200;
	s25 =	simm.s32 $0x4C80  }
0x1c: {  	[tilespmem:s25], [sflag:$0x2] =	stream.indirect.gather [hbm4b:s4+s11], $0x20, s24, s11, $0xb8;
	[tilespmem:$0x1A080] =	vst v63  }
0x1d: {  	s26 =	simm.s32 $0x280;
	s28 =	simm.s32 $0x5C80  }
0x1e: {  	[tilespmem:s28], [sflag:$0x2] =	stream.indirect.gather [hbm4b:s4+s11], $0x20, s26, s11, $0xb8;
	[tilespmem:$0x1A080] =	vst v63  }
0x1f: {  	s22 =	simm.s32 $0x300;
	s23 =	simm.s32 $0x6C80  }
0x20: {  	[tilespmem:s23], [sflag:$0x2] =	stream.indirect.gather [hbm4b:s4+s11], $0x20, s22, s11, $0xb8;
	[tilespmem:$0x1A080] =	vst v63  }
0x21: {  	s24 =	simm.s32 $0x380;
	s25 =	simm.s32 $0x7C80  }
0x22: {  	[tilespmem:s25], [sflag:$0x2] =	stream.indirect.gather [hbm4b:s4+s11], $0x20, s24, s11, $0xb8;
	[tilespmem:$0x1A080] =	vst v63  }
0x23: {  	s26 =	simm.s32 $0x400;
	s28 =	simm.s32 $0x8C80  }
0x24: {  	[tilespmem:s28], [sflag:$0x2] =	stream.indirect.gather [hbm4b:s4+s11], $0x20, s26, s11, $0xb8;
	[tilespmem:$0x1A080] =	vst v63  }
0x25: {  	_ = 	snop  }
0x26: {  	[tilespmem:s30], [sflag:$0x2] =	stream.indirect.gather [hbm4b:s4+s11], $0x20, s29, s11, $0xb8;
	[tilespmem:$0x1A080] =	vst v63  }
0x27: {  	_ = 	snop  }
0x28: {  	[tilespmem:s1], [sflag:$0x2] =	stream.indirect.gather [hbm4b:s4+s11], $0x20, s31, s11, $0xb8;
	[tilespmem:$0x1A080] =	vst v63  }
0x29: {  	_ = 	snop  }
0x2a: {  	[tilespmem:s12], [sflag:$0x2] =	stream.indirect.gather [hbm4b:s4+s11], $0x20, s0, s11, $0xb8;
	[tilespmem:$0x1A080] =	vst v63  }
0x2b: {  	_ = 	snop  }
0x2c: {  	[tilespmem:s15], [sflag:$0x2] =	stream.indirect.gather [hbm4b:s4+s13], $0x20, s14, s13, $0xb8;
	[tilespmem:$0x1A080] =	vst v63  }
0x2d: {  	s21 =	simm.s32 $0x0  }
0x2e: {  	[tilespmem:s16], [sflag:$0x1] =	stream.linear.gather [hbm4b:s6+s2], $0x640, $0x38;
	[tilespmem:$0x1A080] =	vst v63  }
.LBB2_2:
0x2f: {  	_ =	swait.ge [sflag:s17], $0x1000  }
0x30: {  	[sflag:s17] =	ssyncset.done $0x0  }
0x31: {  	[sflag:s17] =	ssyncadd.s32 $0xFFFFF000  }
0x32: {  	_ =	swait.ge [sflag:s17], $0x1000  }
0x33: {  	[sflag:s17] =	ssyncset.done $0x0  }
0x34: {  	[sflag:s17] =	ssyncadd.s32 $0xFFFFF000  }
0x35: {  	_ =	swait.ge [sflag:s17], $0x1000  }
0x36: {  	[sflag:s17] =	ssyncset.done $0x0  }
0x37: {  	[sflag:s17] =	ssyncadd.s32 $0xFFFFF000  }
0x38: {  	_ =	swait.ge [sflag:s17], $0x1000  }
0x39: {  	[sflag:s17] =	ssyncset.done $0x0  }
0x3a: {  	[sflag:s17] =	ssyncadd.s32 $0xFFFFF000  }
0x3b: {  	_ =	swait.ge [sflag:s17], $0x1000  }
0x3c: {  	[sflag:s17] =	ssyncset.done $0x0  }
0x3d: {  	[sflag:s17] =	ssyncadd.s32 $0xFFFFF000  }
0x3e: {  	_ =	swait.ge [sflag:s17], $0x1000  }
0x3f: {  	[sflag:s17] =	ssyncset.done $0x0  }
0x40: {  	[sflag:s17] =	ssyncadd.s32 $0xFFFFF000  }
0x41: {  	_ =	swait.ge [sflag:s17], $0x1000  }
0x42: {  	[sflag:s17] =	ssyncset.done $0x0  }
0x43: {  	[sflag:s17] =	ssyncadd.s32 $0xFFFFF000  }
0x44: {  	_ =	swait.ge [sflag:s17], $0x1000  }
0x45: {  	[sflag:s17] =	ssyncset.done $0x0  }
0x46: {  	[sflag:s17] =	ssyncadd.s32 $0xFFFFF000  }
0x47: {  	_ =	swait.ge [sflag:s17], $0x1000  }
0x48: {  	[sflag:s17] =	ssyncset.done $0x0  }
0x49: {  	[sflag:s17] =	ssyncadd.s32 $0xFFFFF000  }
0x4a: {  	_ =	swait.ge [sflag:s17], $0x1000  }
0x4b: {  	[sflag:s17] =	ssyncset.done $0x0  }
0x4c: {  	[sflag:s17] =	ssyncadd.s32 $0xFFFFF000  }
0x4d: {  	_ =	swait.ge [sflag:s17], $0x1000  }
0x4e: {  	[sflag:s17] =	ssyncset.done $0x0  }
0x4f: {  	[sflag:s17] =	ssyncadd.s32 $0xFFFFF000  }
0x50: {  	_ =	swait.ge [sflag:s17], $0x1000  }
0x51: {  	[sflag:s17] =	ssyncset.done $0x0  }
0x52: {  	[sflag:s17] =	ssyncadd.s32 $0xFFFFF000  }
0x53: {  	s22 =	sadd.s32 $0x1, s21;
	p0 =	seq.s32 s21, $0xF;
	_ =	swait.ge [sflag:s17], $0x800  }
0x54: {  	s23 =	sand.u32 @!p0 $0x1, s22;
	[sflag:s17] =	ssyncset.done $0x0  }
0x55: {  	s24 =	simm.s32 @!p0 $0x1;
	s25 =	smul.u32 @!p0 $0x32000, s23;
	[sflag:s17] =	ssyncadd.s32 $0xFFFFF800  }
0x56: {  	_ =	swait.ge @!p0 [sflag:s24], $0x640  }
0x57: {  	s23 =	smul.u32 @!p0 $0x640, s23;
	s25 =	sshrl.u32 @!p0 s25, $0x2;
	[sflag:s24] =	ssyncset.done @!p0 $0x0  }
0x58: {  	[sflag:s24] =	ssyncadd.s32 @!p0 $0xFFFFF9C0;
	s24 =	sadd.s32 @!p0 $0xC80, s25;
	s25 =	simm.s32 @!p0 $0x80  }
0x59: {  	[tilespmem:s24], [sflag:$0x2] =	stream.indirect.gather @!p0 [hbm4b:s4+s25], $0x20, s23, s25, $0xb8;
	[tilespmem:$0x1A080] =	vst v63  }
0x5a: {  	s24 =	sadd.s32 @!p0 $0x80, s23  }
0x5b: {  	s26 =	sshll.u32 @!p0 s24, $0x5  }
0x5c: {  	s26 =	sadd.s32 @!p0 $0xC80, s26  }
0x5d: {  	[tilespmem:s26], [sflag:$0x2] =	stream.indirect.gather @!p0 [hbm4b:s4+s25], $0x20, s24, s25, $0xb8;
	[tilespmem:$0x1A080] =	vst v63  }
0x5e: {  	s24 =	sadd.s32 @!p0 $0x100, s23  }
0x5f: {  	s26 =	sshll.u32 @!p0 s24, $0x5  }
0x60: {  	s26 =	sadd.s32 @!p0 $0xC80, s26  }
0x61: {  	[tilespmem:s26], [sflag:$0x2] =	stream.indirect.gather @!p0 [hbm4b:s4+s25], $0x20, s24, s25, $0xb8;
	[tilespmem:$0x1A080] =	vst v63  }
0x62: {  	s24 =	sadd.s32 @!p0 $0x180, s23  }
0x63: {  	s26 =	sshll.u32 @!p0 s24, $0x5  }
0x64: {  	s26 =	sadd.s32 @!p0 $0xC80, s26  }
0x65: {  	[tilespmem:s26], [sflag:$0x2] =	stream.indirect.gather @!p0 [hbm4b:s4+s25], $0x20, s24, s25, $0xb8;
	[tilespmem:$0x1A080] =	vst v63  }
0x66: {  	s24 =	sadd.s32 @!p0 $0x200, s23  }
0x67: {  	s26 =	sshll.u32 @!p0 s24, $0x5  }
0x68: {  	s26 =	sadd.s32 @!p0 $0xC80, s26  }
0x69: {  	[tilespmem:s26], [sflag:$0x2] =	stream.indirect.gather @!p0 [hbm4b:s4+s25], $0x20, s24, s25, $0xb8;
	[tilespmem:$0x1A080] =	vst v63  }
0x6a: {  	s24 =	sadd.s32 @!p0 $0x280, s23  }
0x6b: {  	s26 =	sshll.u32 @!p0 s24, $0x5  }
0x6c: {  	s26 =	sadd.s32 @!p0 $0xC80, s26  }
0x6d: {  	[tilespmem:s26], [sflag:$0x2] =	stream.indirect.gather @!p0 [hbm4b:s4+s25], $0x20, s24, s25, $0xb8;
	[tilespmem:$0x1A080] =	vst v63  }
0x6e: {  	s24 =	sadd.s32 @!p0 $0x300, s23  }
0x6f: {  	s26 =	sshll.u32 @!p0 s24, $0x5  }
0x70: {  	s26 =	sadd.s32 @!p0 $0xC80, s26  }
0x71: {  	[tilespmem:s26], [sflag:$0x2] =	stream.indirect.gather @!p0 [hbm4b:s4+s25], $0x20, s24, s25, $0xb8;
	[tilespmem:$0x1A080] =	vst v63  }
0x72: {  	s24 =	sadd.s32 @!p0 $0x380, s23  }
0x73: {  	s26 =	sshll.u32 @!p0 s24, $0x5  }
0x74: {  	s26 =	sadd.s32 @!p0 $0xC80, s26  }
0x75: {  	[tilespmem:s26], [sflag:$0x2] =	stream.indirect.gather @!p0 [hbm4b:s4+s25], $0x20, s24, s25, $0xb8;
	[tilespmem:$0x1A080] =	vst v63  }
0x76: {  	s24 =	sadd.s32 @!p0 $0x400, s23  }
0x77: {  	s26 =	sshll.u32 @!p0 s24, $0x5  }
0x78: {  	s26 =	sadd.s32 @!p0 $0xC80, s26  }
0x79: {  	[tilespmem:s26], [sflag:$0x2] =	stream.indirect.gather @!p0 [hbm4b:s4+s25], $0x20, s24, s25, $0xb8;
	[tilespmem:$0x1A080] =	vst v63  }
0x7a: {  	s24 =	sadd.s32 @!p0 $0x480, s23  }
0x7b: {  	s26 =	sshll.u32 @!p0 s24, $0x5  }
0x7c: {  	s26 =	sadd.s32 @!p0 $0xC80, s26  }
0x7d: {  	[tilespmem:s26], [sflag:$0x2] =	stream.indirect.gather @!p0 [hbm4b:s4+s25], $0x20, s24, s25, $0xb8;
	[tilespmem:$0x1A080] =	vst v63  }
0x7e: {  	s24 =	sadd.s32 @!p0 $0x500, s23  }
0x7f: {  	s26 =	sshll.u32 @!p0 s24, $0x5  }
0x80: {  	s26 =	sadd.s32 @!p0 $0xC80, s26  }
0x81: {  	[tilespmem:s26], [sflag:$0x2] =	stream.indirect.gather @!p0 [hbm4b:s4+s25], $0x20, s24, s25, $0xb8;
	[tilespmem:$0x1A080] =	vst v63  }
0x82: {  	s24 =	sadd.s32 @!p0 $0x580, s23  }
0x83: {  	p1 =	sgt.u32 @!p0 s21, $0xD;
	s26 =	sshll.u32 @!p0 s24, $0x5  }
0x84: {  	p1 =	por p0, p1;
	s26 =	sadd.s32 @!p0 $0xC80, s26  }
0x85: {  	[tilespmem:s26], [sflag:$0x2] =	stream.indirect.gather @!p0 [hbm4b:s4+s25], $0x20, s24, s25, $0xb8;
	[tilespmem:$0x1A080] =	vst v63  }
0x86: {  	s23 =	sadd.s32 @!p0 $0x600, s23;
	s24 =	sshll.u32 @!p1 s21, $0x5  }
0x87: {  	s28 =	simm.s32 @!p0 $0x40;
	s26 =	sshll.u32 @!p0 s23, $0x5;
	s24 =	sadd.s32 @!p1 s24, s7  }
0x88: {  	s25 =	sand.u32 $0x1, s21;
	s26 =	sadd.s32 @!p0 $0xC80, s26;
	s24 =	smul.u32 @!p1 $0x32, s24  }
0x89: {  	[tilespmem:s26], [sflag:$0x2] =	stream.indirect.gather @!p0 [hbm4b:s4+s28], $0x20, s23, s28, $0xb8;
	[tilespmem:$0x1A080] =	vst v63  }
0x8a: {  	p0 =	seq.s32 s25, $0x1;
	s23 =	simm.s32 $0x640  }
0x8b: {  	s23 =	simm.s32 @!p0 $0x0;
	p0 =	seq.s32 @!p1 s21, $0x0;
	s24 =	sshrl.u32 @!p1 s24, $0x3  }
0x8c: {  	s25 =	simm.s32 @!p1 $0x0;
	p0 =	por p1, !p0;
	s24 =	sadd.s32 @!p1 s3, s24  }
0x8d: {  	[tilespmem:s23], [sflag:$0x1] =	stream.linear.gather @!p1 [hbm4b:s24+s25], $0x640, $0x38;
	[tilespmem:$0x1A080] =	vst v63  }
0x8e: {  	_ =	swait.ge @p0 [sflag:s19], $0x400  }
0x8f: {  	s23 =	sshll.u32 s23, $0x5;
	[sflag:s19] =	ssyncset.done @p0 $0x0  }
0x90: {  	s24 =	simm.s32 $0x0;
	s23 =	sadd.s32 $0xFA0, s23;
	[sflag:s19] =	ssyncadd.s32 @p0 $0xFFFFFC00  }
.LBB2_3:
0x91: {  	v0 =	vld [tilespmem:s23+$0xFFFFFCE0]  }
0x92: {  	v1 =	vld [tilespmem:s23+$0xFFFFFD00]  }
0x93: {  	v2 =	vld [tilespmem:s23+$0xFFFFFD20]  }
0x94: {  	v3 =	vld [tilespmem:s23+$0xFFFFFD40]  }
0x95: {  	v4 =	vld [tilespmem:s23+$0xFFFFFCF0]  }
0x96: {  	v5 =	vld [tilespmem:s23+$0xFFFFFD10]  }
0x97: {  	v6 =	vld [tilespmem:s23+$0xFFFFFD30]  }
0x98: {  	v7 =	vld [tilespmem:s23+$0xFFFFFD50]  }
0x99: {  	v8 =	vld [tilespmem:s23+$0xFFFFFD60]  }
0x9a: {  	v9 =	vld [tilespmem:s23+$0xFFFFFD70]  }
0x9b: {  	v10 =	vld [tilespmem:s23+$0xFFFFFD80]  }
0x9c: {  	v11 =	vld [tilespmem:s23+$0xFFFFFD90]  }
0x9d: {  	v12 =	vld [tilespmem:s23+$0xFFFFFDA0]  }
0x9e: {  	v13 =	vld [tilespmem:s23+$0xFFFFFDB0]  }
0x9f: {  	v14 =	vld [tilespmem:s23+$0xFFFFFDC0]  }
0xa0: {  	v15 =	vld [tilespmem:s23+$0xFFFFFDD0]  }
0xa1: {  	v16 =	vld [tilespmem:s23+$0xFFFFFDE0]  }
0xa2: {  	v17 =	vld [tilespmem:s23+$0xFFFFFDF0]  }
0xa3: {  	v18 =	vld [tilespmem:s23+$0xFFFFFE00]  }
0xa4: {  	v19 =	vld [tilespmem:s23+$0xFFFFFE10]  }
0xa5: {  	v20 =	vld [tilespmem:s23+$0xFFFFFE20]  }
0xa6: {  	v21 =	vld [tilespmem:s23+$0xFFFFFE30]  }
0xa7: {  	v22 =	vld [tilespmem:s23+$0xFFFFFE40]  }
0xa8: {  	v23 =	vld [tilespmem:s23+$0xFFFFFE50]  }
0xa9: {  	v24 =	vld [tilespmem:s23+$0xFFFFFE60]  }
0xaa: {  	v25 =	vld [tilespmem:s23+$0xFFFFFE70]  }
0xab: {  	v26 =	vld [tilespmem:s23+$0xFFFFFE80]  }
0xac: {  	v27 =	vld [tilespmem:s23+$0xFFFFFE90]  }
0xad: {  	v28 =	vld [tilespmem:s23+$0xFFFFFEA0]  }
0xae: {  	v29 =	vld [tilespmem:s23+$0xFFFFFEB0]  }
0xaf: {  	v30 =	vld [tilespmem:s23+$0xFFFFFEC0]  }
0xb0: {  	v31 =	vld [tilespmem:s23+$0xFFFFFED0]  }
0xb1: {  	v32 =	vld [tilespmem:s23+$0xFFFFFEE0]  }
0xb2: {  	v33 =	vld [tilespmem:s23+$0xFFFFFEF0]  }
0xb3: {  	v34 =	vld [tilespmem:s23+$0xFFFFFF00]  }
0xb4: {  	v35 =	vld [tilespmem:s23+$0xFFFFFF10]  }
0xb5: {  	v36 =	vld [tilespmem:s23+$0xFFFFFF20]  }
0xb6: {  	v37 =	vld [tilespmem:s23+$0xFFFFFF30]  }
0xb7: {  	v38 =	vld [tilespmem:s23+$0xFFFFFF40]  }
0xb8: {  	v39 =	vld [tilespmem:s23+$0xFFFFFF50]  }
0xb9: {  	v40 =	vld [tilespmem:s23+$0xFFFFFF60]  }
0xba: {  	v41 =	vld [tilespmem:s23+$0xFFFFFF70]  }
0xbb: {  	v42 =	vld [tilespmem:s23+$0xFFFFFF80]  }
0xbc: {  	v43 =	vld [tilespmem:s23+$0xFFFFFF90]  }
0xbd: {  	v44 =	vld [tilespmem:s23+$0xFFFFFFA0]  }
0xbe: {  	v45 =	vld [tilespmem:s23+$0xFFFFFFB0]  }
0xbf: {  	v46 =	vld [tilespmem:s23+$0xFFFFFFC0]  }
0xc0: {  	v47 =	vld [tilespmem:s23+$0xFFFFFFD0]  }
0xc1: {  	v48 =	vld [tilespmem:s23+$0xFFFFFFE0]  }
0xc2: {  	v49 =	vld [tilespmem:s23+$0xFFFFFFF0]  }
0xc3: {  	v50 =	vld [tilespmem:s23+$0x0]  }
0xc4: {  	v51 =	vld [tilespmem:s23+$0x10]  }
0xc5: {  	v52 =	vld [tilespmem:s23+$0x20]  }
0xc6: {  	v53 =	vld [tilespmem:s23+$0x30]  }
0xc7: {  	v54 =	vld [tilespmem:s23+$0x40]  }
0xc8: {  	v55 =	vld [tilespmem:s23+$0x50]  }
0xc9: {  	v56 =	vld [tilespmem:s23+$0x60]  }
0xca: {  	v57 =	vld [tilespmem:s23+$0x70]  }
0xcb: {  	v58 =	vld [tilespmem:s23+$0x80]  }
0xcc: {  	v59 =	vld [tilespmem:s23+$0x150];
	v0 =	vadd.f32 v8, v0;
	v4 =	vadd.f32 v9, v4  }
0xcd: {  	v60 =	vld [tilespmem:s23+$0x160];
	v1 =	vadd.f32 v10, v1;
	v5 =	vadd.f32 v11, v5  }
0xce: {  	v61 =	vld [tilespmem:s23+$0x170];
	v2 =	vadd.f32 v12, v2;
	v6 =	vadd.f32 v13, v6  }
0xcf: {  	v62 =	vld [tilespmem:s23+$0x180];
	v3 =	vadd.f32 v14, v3;
	v7 =	vadd.f32 v15, v7  }
0xd0: {  	v63 =	vld [tilespmem:s23+$0x190];
	v0 =	vadd.f32 v16, v0;
	v4 =	vadd.f32 v17, v4  }
0xd1: {  	v8 =	vld [tilespmem:s23+$0x90];
	v1 =	vadd.f32 v18, v1;
	v5 =	vadd.f32 v19, v5  }
0xd2: {  	v9 =	vld [tilespmem:s23+$0xA0];
	v2 =	vadd.f32 v20, v2;
	v6 =	vadd.f32 v21, v6  }
0xd3: {  	v10 =	vld [tilespmem:s23+$0xB0];
	v3 =	vadd.f32 v22, v3;
	v7 =	vadd.f32 v23, v7  }
0xd4: {  	v11 =	vld [tilespmem:s23+$0xC0];
	v0 =	vadd.f32 v24, v0;
	v4 =	vadd.f32 v25, v4  }
0xd5: {  	v12 =	vld [tilespmem:s23+$0xD0];
	v1 =	vadd.f32 v26, v1;
	v5 =	vadd.f32 v27, v5  }
0xd6: {  	v13 =	vld [tilespmem:s23+$0xE0];
	v2 =	vadd.f32 v28, v2;
	v6 =	vadd.f32 v29, v6  }
0xd7: {  	v14 =	vld [tilespmem:s23+$0xF0];
	v3 =	vadd.f32 v30, v3;
	v7 =	vadd.f32 v31, v7  }
0xd8: {  	v15 =	vld [tilespmem:s23+$0x100];
	v0 =	vadd.f32 v32, v0;
	v4 =	vadd.f32 v33, v4  }
0xd9: {  	v16 =	vld [tilespmem:s23+$0x110];
	v1 =	vadd.f32 v34, v1;
	v5 =	vadd.f32 v35, v5  }
0xda: {  	v17 =	vld [tilespmem:s23+$0x120];
	v2 =	vadd.f32 v36, v2;
	v6 =	vadd.f32 v37, v6  }
0xdb: {  	v18 =	vld [tilespmem:s23+$0x130];
	v3 =	vadd.f32 v38, v3;
	v7 =	vadd.f32 v39, v7  }
0xdc: {  	v19 =	vld [tilespmem:s23+$0x140];
	v0 =	vadd.f32 v40, v0;
	v4 =	vadd.f32 v41, v4  }
0xdd: {  	v36 =	vld [tilespmem:s23+$0x1A0];
	v1 =	vadd.f32 v42, v1;
	v5 =	vadd.f32 v43, v5  }
0xde: {  	v37 =	vld [tilespmem:s23+$0x1B0];
	v2 =	vadd.f32 v44, v2;
	v6 =	vadd.f32 v45, v6  }
0xdf: {  	v38 =	vld [tilespmem:s23+$0x1C0];
	v3 =	vadd.f32 v46, v3;
	v7 =	vadd.f32 v47, v7  }
0xe0: {  	v39 =	vld [tilespmem:s23+$0x1D0];
	v0 =	vadd.f32 v48, v0;
	v4 =	vadd.f32 v49, v4  }
0xe1: {  	v40 =	vld [tilespmem:s23+$0x1E0];
	v1 =	vadd.f32 v50, v1;
	v5 =	vadd.f32 v51, v5  }
0xe2: {  	v41 =	vld [tilespmem:s23+$0x1F0];
	v2 =	vadd.f32 v52, v2;
	v6 =	vadd.f32 v53, v6  }
0xe3: {  	v42 =	vld [tilespmem:s23+$0x200];
	v3 =	vadd.f32 v54, v3;
	v7 =	vadd.f32 v55, v7  }
0xe4: {  	v43 =	vld [tilespmem:s23+$0x210];
	v0 =	vadd.f32 v56, v0;
	v4 =	vadd.f32 v57, v4  }
0xe5: {  	v44 =	vld [tilespmem:s23+$0x220];
	v1 =	vadd.f32 v58, v1;
	v5 =	vadd.f32 v8, v5  }
0xe6: {  	v45 =	vld [tilespmem:s23+$0x230];
	v2 =	vadd.f32 v9, v2;
	v6 =	vadd.f32 v10, v6  }
0xe7: {  	v46 =	vld [tilespmem:s23+$0x240];
	v3 =	vadd.f32 v11, v3;
	v7 =	vadd.f32 v12, v7  }
0xe8: {  	v47 =	vld [tilespmem:s23+$0x250];
	v0 =	vadd.f32 v13, v0;
	v4 =	vadd.f32 v14, v4  }
0xe9: {  	v48 =	vld [tilespmem:s23+$0x260];
	v1 =	vadd.f32 v15, v1;
	v5 =	vadd.f32 v16, v5  }
0xea: {  	v49 =	vld [tilespmem:s23+$0x270];
	v2 =	vadd.f32 v17, v2;
	v6 =	vadd.f32 v18, v6  }
0xeb: {  	v50 =	vld [tilespmem:s23+$0x280];
	v3 =	vadd.f32 v19, v3;
	v7 =	vadd.f32 v59, v7  }
0xec: {  	v51 =	vld [tilespmem:s23+$0x290];
	v0 =	vadd.f32 v60, v0;
	v4 =	vadd.f32 v61, v4  }
0xed: {  	v52 =	vld [tilespmem:s23+$0x2A0];
	v1 =	vadd.f32 v62, v1;
	v5 =	vadd.f32 v63, v5  }
0xee: {  	v53 =	vld [tilespmem:s23+$0x2B0];
	v2 =	vadd.f32 v36, v2;
	v6 =	vadd.f32 v37, v6  }
0xef: {  	v54 =	vld [tilespmem:s23+$0x2C0];
	v3 =	vadd.f32 v38, v3;
	v7 =	vadd.f32 v39, v7  }
0xf0: {  	v55 =	vld [tilespmem:s23+$0x2D0];
	v0 =	vadd.f32 v40, v0;
	v4 =	vadd.f32 v41, v4  }
0xf1: {  	v56 =	vld [tilespmem:s23+$0x2E0];
	v1 =	vadd.f32 v42, v1;
	v5 =	vadd.f32 v43, v5  }
0xf2: {  	v57 =	vld [tilespmem:s23+$0x2F0];
	v2 =	vadd.f32 v44, v2;
	v6 =	vadd.f32 v45, v6  }
0xf3: {  	v58 =	vld [tilespmem:s23+$0x300];
	v3 =	vadd.f32 v46, v3;
	v7 =	vadd.f32 v47, v7  }
0xf4: {  	v59 =	vld [tilespmem:s23+$0x310];
	v0 =	vadd.f32 v48, v0;
	v4 =	vadd.f32 v49, v4  }
0xf5: {  	v1 =	vadd.f32 v50, v1;
	v5 =	vadd.f32 v51, v5  }
0xf6: {  	v2 =	vadd.f32 v52, v2;
	v6 =	vadd.f32 v53, v6  }
0xf7: {  	v3 =	vadd.f32 v54, v3;
	v7 =	vadd.f32 v55, v7  }
0xf8: {  	v0 =	vadd.f32 v56, v0;
	v1 =	vadd.f32 v58, v1  }
0xf9: {  	v4 =	vadd.f32 v57, v4;
	v5 =	vadd.f32 v59, v5  }
0xfa: {  	p0 =	sne.s32 s24, $0xF80;
	v60 =	vadd.f32 v3, v2;
	v0 =	vadd.f32 v1, v0  }
.Ltmp0:
0xfb: {  	v62 =	vadd.f32 v7, v6;
	v61 =	vadd.f32 v5, v4;
	(pc) =	sbr.rel @p0 .LBB2_3-.Ltmp0, $4  }
0xfc: {  	v0 =	vadd.f32 v0, v60  }
0xfd: {  	s25 =	sshra.s32 s24, $0x2;
	v63 =	vadd.f32 v61, v62  }
0xfe: {  	[tilespmem:s25+$0x19C80] =	vst v0  }
0xff: {  	s24 =	sadd.s32 $0x80, s24;
	s23 =	sadd.s32 $0x640, s23;
	[tilespmem:s25+$0x19C90] =	vst v63  }
0x100: {  	p0 =	sne.s32 s22, $0x10  }
.Ltmp1:
0x101: {  	_ = 	snop;
	(pc) =	sbr.rel @p0 .LBB2_2-.Ltmp1, $4  }
0x102: {  	s21 =	sshll.u32 s21, $0x7  }
0x103: {  	s21 =	sadd.s32 s21, s8  }
0x104: {  	[hbm4b:s21+s2] =	stream.linear.scatter [tilespmem:s18], [sflag:$0x3], $0x400, $0x38;
	[tilespmem:$0x1A080] =	vst v63  }
0x105: {  	s21 =	smov.u32 s22  }
0x106: {  	s20 =	sadd.s32 $0x1, s20  }
0x107: {  	p0 =	sne.s32 s20, s9  }
.Ltmp2:
0x108: {  	_ = 	snop;
	(pc) =	sbr.rel @p0 .LBB2_1-.Ltmp2, $4  }
0x109: {  	_ = 	snop  }
0x10a: {  	_ =	swait.ge [sflag:s19], $0x400  }
0x10b: {  	[sflag:s19] =	ssyncset.done $0x0  }
0x10c: {  	[sflag:s19] =	ssyncadd.s32 $0xFFFFFC00  }
0x10d: {  	_ =	sfence.sel $0x180000  }
0x10e: {  	[bflag:$0x0] =	sbarrier.arrive $0xFFFF  }
0x10f: {  	_ =	strace $0x90000047  }
0x110: {  	s0 =	stileid.u32;
	[bflag:$0x2] =	sbarrier.arrive $0xFFFF  }
0x111: {  	p0 =	sne.s32 s0, $0x0;
	s0 =	rddreg [dreg:$0x2]  }
0x112: {  	s0 =	sadd.s32 @!p0 $0x100000, s0  }
0x113: {  	[sflag:s0] =	ssyncadd.tile.s32 @!p0 $0x1;
	_ =	shalt  }
.Lfunc_end2:
_tile_overlayer_lowered:
.L_overlay_start_2:
0x114: {  	(tag) =	ssettag $0x2  }
0x115: {  	s0 =	rddreg [dreg:$0x0];
	s2 =	stileid.u32  }
0x116: {  	s1 =	rddreg [dreg:$0x1];
	p0 =	sne.s32 s2, $0x0  }
0x117: {  	s3 =	rddreg [dreg:$0x2];
	[bflag:$0x3] =	sbarrier.arrive $0xFFFF;
	s2 =	simm.s32 @!p0 $0x1C04  }
0x118: {  	[timem:s3], [sflag:s2] =	dma.local @!p0 [hbm:s0], s1  }
0x119: {  	s0 =	simm.s32 @!p0 $0x4  }
0x11a: {  	_ =	swait.ge @!p0 [sflag:s0], s1  }
0x11b: {  	s1 =	ssub.s32 @!p0 $0x0, s1;
	[sflag:s0] =	ssyncset.done @!p0 $0x0  }
0x11c: {  	[sflag:s0] =	ssyncadd.s32 @!p0 s1  }
0x11d: {  	[bflag:$0x3] =	sbarrier.arrive $0xFFFF  }
0x11e: {  	_ =	shalt  }

</sc_bundles>
